<compile_context>
chip_gen: v7x
topology: tpu7x:2x2x1
jax: 0.10.2.dev20260603
libtpu: 0.0.44.dev20260713+nightly
codegen_flags: <defaults>
</compile_context>

<pallas_src>
import functools

import jax
import jax.numpy as jnp
from jax import lax
from jax.experimental import pallas as pl
from jax.experimental.pallas import tpu as pltpu
from jax.experimental.pallas import tpu_sc as plsc

_NC = 2
_NS = 16
_C = 128
_W = 128


def _seg_sum_sc(table, src3, dst3, r_rows, split_features):
    R = r_rows
    RPT = R // _NS
    NCH = src3.shape[-2]
    zeros = jnp.zeros((R, _W), jnp.float32)

    mesh = plsc.VectorSubcoreMesh(core_axis_name="c", subcore_axis_name="s")

    @functools.partial(
        pl.kernel,
        mesh=mesh,
        out_type=jax.ShapeDtypeStruct((_NC, R, _W), jnp.float32),
        scratch_types=[
            pltpu.VMEM_SHARED((R, _W), jnp.float32),
            pltpu.VMEM((_C,), jnp.int32),
            pltpu.VMEM((_C,), jnp.int32),
            pltpu.VMEM((_C, _W), jnp.float32),
            pltpu.SemaphoreType.DMA,
        ],
    )
    def seg_sum(tbl_hbm, src_hbm, dst_hbm, z_hbm, out_hbm,
                acc, srcA, dstA, rows0, sg0):
        c = lax.axis_index("c")
        s = lax.axis_index("s")
        r0 = s * RPT

        pltpu.sync_copy(z_hbm.at[pl.ds(r0, RPT)], acc.at[pl.ds(r0, RPT)])
        plsc.subcore_barrier()

        w = c * _NS + s

        def chunk(j, carry):
            if split_features:
                pltpu.sync_copy(src_hbm.at[c, s, j], srcA)
                pltpu.sync_copy(dst_hbm.at[s, j], dstA)
            else:
                pltpu.sync_copy(src_hbm.at[w, j], srcA)
                pltpu.sync_copy(dst_hbm.at[w, j], dstA)
            pltpu.async_copy(tbl_hbm.at[srcA], rows0, sg0).wait()
            pltpu.sync_copy(rows0, acc.at[dstA], add=True)
            return carry

        lax.fori_loop(0, NCH, chunk, 0)
        plsc.subcore_barrier()
        pltpu.sync_copy(acc.at[pl.ds(r0, RPT)], out_hbm.at[c, pl.ds(r0, RPT)])

    return seg_sum(table, src3, dst3, zeros)


def _dotT(a, b):
    return lax.dot_general(a, b, (((1,), (1,)), ((), ())),
                           preferred_element_type=jnp.float32)


def _layer1_tc(accp, x, W1_rel, b1, W1_root, W2a, W2b, BR=1024):
    N, DIN = x.shape
    H1 = W1_rel.shape[0]
    NB = -(-N // BR)

    def body(acc_ref, x_ref, wr_ref, b_ref, wt_ref, w2a_ref, w2b_ref,
             h1_ref, y2_ref):
        a = acc_ref[...]
        h1 = _dotT(a[0] + a[1], wr_ref[...]) + b_ref[...]
        h1 = jnp.maximum(h1 + _dotT(x_ref[...], wt_ref[...]), 0.0)
        h1_ref[...] = h1
        y2_ref[0] = _dotT(h1, w2a_ref[...])
        y2_ref[1] = _dotT(h1, w2b_ref[...])

    return pl.pallas_call(
        body,
        grid=(NB,),
        in_specs=[
            pl.BlockSpec((2, BR, DIN), lambda i: (0, i, 0)),
            pl.BlockSpec((BR, DIN), lambda i: (i, 0)),
            pl.BlockSpec((H1, DIN), lambda i: (0, 0)),
            pl.BlockSpec((1, H1), lambda i: (0, 0)),
            pl.BlockSpec((H1, DIN), lambda i: (0, 0)),
            pl.BlockSpec((_W, H1), lambda i: (0, 0)),
            pl.BlockSpec((_W, H1), lambda i: (0, 0)),
        ],
        out_specs=[
            pl.BlockSpec((BR, H1), lambda i: (i, 0)),
            pl.BlockSpec((2, BR, _W), lambda i: (0, i, 0)),
        ],
        out_shape=[
            jax.ShapeDtypeStruct((N, H1), jnp.float32),
            jax.ShapeDtypeStruct((2, N, _W), jnp.float32),
        ],
    )(accp, x, W1_rel, b1.reshape(1, -1), W1_root, W2a, W2b)


def _layer2_tc(accf, h1, W2_root, b2, W3p, BR=1024):
    N, H1 = h1.shape
    H2 = W2_root.shape[0]
    NB = -(-N // BR)

    def body(acc_ref, h1_ref, wt_ref, b_ref, w3_ref, h2_ref, y3_ref):
        a = acc_ref[...]
        agg = jnp.concatenate([a[0], a[1, :, :H2 - _W]], axis=1)
        h2 = jnp.maximum(
            agg + b_ref[...] + _dotT(h1_ref[...], wt_ref[...]), 0.0)
        h2_ref[...] = h2
        y3_ref[...] = _dotT(h2, w3_ref[...])

    return pl.pallas_call(
        body,
        grid=(NB,),
        in_specs=[
            pl.BlockSpec((2, BR, _W), lambda i: (0, i, 0)),
            pl.BlockSpec((BR, H1), lambda i: (i, 0)),
            pl.BlockSpec((H2, H1), lambda i: (0, 0)),
            pl.BlockSpec((1, H2), lambda i: (0, 0)),
            pl.BlockSpec((_W, H2), lambda i: (0, 0)),
        ],
        out_specs=[
            pl.BlockSpec((BR, H2), lambda i: (i, 0)),
            pl.BlockSpec((BR, _W), lambda i: (i, 0)),
        ],
        out_shape=[
            jax.ShapeDtypeStruct((N, H2), jnp.float32),
            jax.ShapeDtypeStruct((N, _W), jnp.float32),
        ],
    )(accf, h1, W2_root, b2.reshape(1, -1), W3p)


def _layer3_tc(accp, h2, W3_root, b3, OUT, BR=1024):
    N, H2 = h2.shape
    NB = -(-N // BR)

    def body(acc_ref, h2_ref, wt_ref, b_ref, out_ref):
        a = acc_ref[...]
        agg = a[0, :, :OUT] + a[1, :, :OUT]
        out_ref[...] = jnp.maximum(
            agg + b_ref[...] + _dotT(h2_ref[...], wt_ref[...]), 0.0)

    return pl.pallas_call(
        body,
        grid=(NB,),
        in_specs=[
            pl.BlockSpec((2, BR, _W), lambda i: (0, i, 0)),
            pl.BlockSpec((BR, H2), lambda i: (i, 0)),
            pl.BlockSpec((OUT, H2), lambda i: (0, 0)),
            pl.BlockSpec((1, OUT), lambda i: (0, 0)),
        ],
        out_specs=pl.BlockSpec((BR, OUT), lambda i: (i, 0)),
        out_shape=jax.ShapeDtypeStruct((N, OUT), jnp.float32),
    )(accp, h2, W3_root, b3.reshape(1, -1))




def kernel(x, edge_index, W1_rel, b1, W1_root, W2_rel, b2, W2_root,
           W3_rel, b3, W3_root):
    N, DIN = x.shape
    E = edge_index.shape[1]
    OUT = W3_rel.shape[0]
    H2 = W2_rel.shape[0]
    R = -(-(N + 1) // 128) * 128

    src = edge_index[0]
    dst = edge_index[1]
    NCH32 = -(-E // (2 * _NS * _C))
    pad32 = 2 * _NS * NCH32 * _C - E
    src32 = jnp.concatenate(
        [src, jnp.zeros((pad32,), jnp.int32)]).reshape(2 * _NS, NCH32, _C)
    dst32 = jnp.concatenate(
        [dst, jnp.full((pad32,), N, jnp.int32)]).reshape(2 * _NS, NCH32, _C)
    NCH16 = -(-E // (_NS * _C))
    pad16 = _NS * NCH16 * _C - E
    src16 = jnp.concatenate(
        [src, jnp.zeros((pad16,), jnp.int32)]).reshape(_NS, NCH16, _C)
    src16 = jnp.stack([src16, src16 + N])
    dst16 = jnp.concatenate(
        [dst, jnp.full((pad16,), N, jnp.int32)]).reshape(_NS, NCH16, _C)

    acc1 = _seg_sum_sc(x, src32, dst32, R, split_features=False)
    W2a = W2_rel[:_W]
    W2b = jnp.pad(W2_rel[_W:], ((0, 2 * _W - H2), (0, 0)))
    h1, y2t = _layer1_tc(acc1, x, W1_rel, b1, W1_root, W2a, W2b)

    acc2 = _seg_sum_sc(y2t.reshape(2 * N, _W), src16, dst16, R,
                       split_features=True)
    W3p = jnp.pad(W3_rel, ((0, _W - OUT), (0, 0)))
    h2, y3p = _layer2_tc(acc2, h1, W2_root, b2, W3p)

    acc3 = _seg_sum_sc(y3p, src32, dst32, R, split_features=False)
    return _layer3_tc(acc3, h2, W3_root, b3, OUT)

# --- scband reference (transcript-rebuilt; emitter-appended) ---
"""Pipeline reference for scband-l3-graph-conv-84859963834407 (READ-ONLY COPY).

The authoritative reference and input builder live on the scoring server;
editing this copy changes nothing except your own understanding.
"""

import jax, jax.numpy as jnp
import numpy as np

N = 10000
E = 320000
DIN = 128
OUT = 4
H1 = 100 * OUT  # 400
H2 = 50 * OUT   # 200


def _glorot(key, shape):
    fan_in = shape[1]
    return jax.random.normal(key, shape, dtype=jnp.float32) * (1.0 / np.sqrt(fan_in))


def setup_inputs(seed: int = 0) -> dict:
    key = jax.random.key(seed)
    ks = jax.random.split(key, 12)
    x = jax.random.normal(ks[0], (N, DIN), dtype=jnp.float32)
    edge_index = jax.random.randint(ks[1], (2, E), 0, N, dtype=jnp.int32)
    # GraphConv layer 1: in=128 -> out=400 (lin_rel has bias, lin_root has no bias, per PyG GraphConv)
    W1_rel = _glorot(ks[2], (H1, DIN)); b1 = jnp.zeros((H1,), jnp.float32)
    W1_root = _glorot(ks[3], (H1, DIN))
    # GraphConv layer 2: 400 -> 200
    W2_rel = _glorot(ks[4], (H2, H1)); b2 = jnp.zeros((H2,), jnp.float32)
    W2_root = _glorot(ks[5], (H2, H1))
    # GraphConv layer 3: 200 -> 4
    W3_rel = _glorot(ks[6], (OUT, H2)); b3 = jnp.zeros((OUT,), jnp.float32)
    W3_root = _glorot(ks[7], (OUT, H2))
    return {
        "x": x, "edge_index": edge_index,
        "W1_rel": W1_rel, "b1": b1, "W1_root": W1_root,
        "W2_rel": W2_rel, "b2": b2, "W2_root": W2_root,
        "W3_rel": W3_rel, "b3": b3, "W3_root": W3_root,
    }


def reference(x, edge_index, W1_rel, b1, W1_root, W2_rel, b2, W2_root, W3_rel, b3, W3_root):
    src = edge_index[0]
    dst = edge_index[1]

    def graph_conv(h, Wr, b, Wroot):
        # PyG GraphConv with aggr='add': out = lin_rel(sum_{j in N(i)} x_j) + lin_root(x_i)
        msgs = jnp.take(h, src, axis=0)
        agg = jax.ops.segment_sum(msgs, dst, num_segments=N)
        return agg @ Wr.T + b + h @ Wroot.T

    h = jax.nn.relu(graph_conv(x, W1_rel, b1, W1_root))
    # dropout(p=0.1) is identity in eval mode
    h = jax.nn.relu(graph_conv(h, W2_rel, b2, W2_root))
    h = jax.nn.relu(graph_conv(h, W3_rel, b3, W3_root))
    return h

if __name__ == "__main__":
    import jax
    _d = setup_inputs()
    print(jax.jit(kernel)(*tuple(_d.values())))

</pallas_src>

<mosaic_0001>
#map = affine_map<(d0, d1) -> (0, 0)>
#map1 = affine_map<(d0, d1) -> (0, 0, 0)>
module attributes {stable_mosaic.version = 14 : i64} {
  func.func @seg_sum(%arg0: i32, %arg1: i32, %arg2: memref<10000x128xf32, #tpu.memory_space<hbm>>, %arg3: memref<32x79x128xi32, #tpu.memory_space<hbm>>, %arg4: memref<32x79x128xi32, #tpu.memory_space<hbm>>, %arg5: memref<10112x128xf32, #tpu.memory_space<hbm>>, %arg6: memref<2x10112x128xf32, #tpu.memory_space<hbm>>, %arg7: memref<10112x128xf32, #tpu.memory_space<vmem_shared>>, %arg8: memref<128xi32, #tpu.memory_space<vmem>>, %arg9: memref<128xi32, #tpu.memory_space<vmem>>, %arg10: memref<128x128xf32, #tpu.memory_space<vmem>>, %arg11: memref<!tpu.dma_semaphore, #tpu.memory_space<semaphore_mem>>) attributes {dimension_semantics = [#tpu.dimension_semantics<core_parallel>, #tpu.dimension_semantics<subcore_parallel>], iteration_bounds = array<i64: 2, 16>, scalar_prefetch = 0 : i64, scratch_operands = 5 : i64, tpu.core_type = #tpu.core_type<sc_vector_subcore>, window_params = [{transform_indices = #map}, {transform_indices = #map1}, {transform_indices = #map1}, {transform_indices = #map}, {transform_indices = #map1}]} {
    %mul3A = arith.constant 632 : i32
    %mul3A_0 = arith.muli %arg1, %mul3A : i32
    "tpu.region"() ({
      %run_scoped3A = tpu.sem_alloc : memref<!tpu.dma_semaphore, #tpu.memory_space<semaphore_mem>>
      %dma_start3A = arith.constant 0 : i32
      %dma_start3A_9 = tpu.memref_slice %arg7[%mul3A_0, %dma_start3A] : memref<10112x128xf32, #tpu.memory_space<vmem_shared>> -> memref<632x128xf32, #tpu.memory_space<vmem_shared>>
      %dma_start3A_10 = arith.constant 0 : i32
      %dma_start3A_11 = tpu.memref_slice %arg5[%mul3A_0, %dma_start3A_10] : memref<10112x128xf32, #tpu.memory_space<hbm>> -> memref<632x128xf32, #tpu.memory_space<hbm>>
      tpu.enqueue_dma source(%dma_start3A_11 : memref<632x128xf32, #tpu.memory_space<hbm>>) target(%dma_start3A_9 : memref<632x128xf32, #tpu.memory_space<vmem_shared>>) target_semaphore(%run_scoped3A : memref<!tpu.dma_semaphore, #tpu.memory_space<semaphore_mem>>)
      %dma_wait3A = arith.constant 0 : i32
      %dma_wait3A_12 = tpu.memref_slice %arg7[%mul3A_0, %dma_wait3A] : memref<10112x128xf32, #tpu.memory_space<vmem_shared>> -> memref<632x128xf32, #tpu.memory_space<vmem_shared>>
      %dma_wait3A_13 = arith.constant 0 : i32
      %dma_wait3A_14 = tpu.memref_slice %arg5[%mul3A_0, %dma_wait3A_13] : memref<10112x128xf32, #tpu.memory_space<hbm>> -> memref<632x128xf32, #tpu.memory_space<hbm>>
      tpu.wait_dma2 semaphore(%run_scoped3A : memref<!tpu.dma_semaphore, #tpu.memory_space<semaphore_mem>>) src(%dma_wait3A_14 : memref<632x128xf32, #tpu.memory_space<hbm>>) dst(%dma_wait3A_12 : memref<632x128xf32, #tpu.memory_space<vmem_shared>>)
      tpu.yield
    }) : () -> ()
    %barrier3A = arith.constant 0 : index
    tpu.barrier barrier_id(%barrier3A)
    %mul3A_1 = arith.constant 16 : i32
    %mul3A_2 = arith.muli %arg0, %mul3A_1 : i32
    %add3A = arith.addi %mul3A_2, %arg1 : i32
    %scan3A = arith.constant 0 : i32
    %scan3A_3 = arith.constant 0 : i32
    %scan3A_4 = arith.constant 79 : i32
    %scan3A_5 = arith.addi %scan3A_3, %scan3A_4 : i32
    %scan3A_6 = arith.constant 1 : i32
    scf.for %scan3A_9 = %scan3A_3 to %scan3A_5 step %scan3A_6  : i32 {
      "tpu.region"() ({
        %run_scoped3A = tpu.sem_alloc : memref<!tpu.dma_semaphore, #tpu.memory_space<semaphore_mem>>
        %dma_start3A_14 = arith.constant 0 : i32
        %dma_start3A_15 = tpu.memref_slice %arg3[%add3A, %scan3A_9, %dma_start3A_14] : memref<32x79x128xi32, #tpu.memory_space<hbm>> -> memref<1x1x128xi32, #tpu.memory_space<hbm>>
        %dma_start3A_16 = tpu.memref_squeeze %dma_start3A_15 : memref<1x1x128xi32, #tpu.memory_space<hbm>> -> memref<128xi32, #tpu.memory_space<hbm>>
        %dma_start3A_17 = arith.constant 0 : i32
        %dma_start3A_18 = tpu.memref_slice %arg3[%add3A, %scan3A_9, %dma_start3A_17] : memref<32x79x128xi32, #tpu.memory_space<hbm>> -> memref<1x1x128xi32, #tpu.memory_space<hbm>>
        %dma_start3A_19 = tpu.memref_squeeze %dma_start3A_18 : memref<1x1x128xi32, #tpu.memory_space<hbm>> -> memref<128xi32, #tpu.memory_space<hbm>>
        tpu.enqueue_dma source(%dma_start3A_19 : memref<128xi32, #tpu.memory_space<hbm>>) target(%arg8 : memref<128xi32, #tpu.memory_space<vmem>>) target_semaphore(%run_scoped3A : memref<!tpu.dma_semaphore, #tpu.memory_space<semaphore_mem>>)
        %dma_wait3A_20 = arith.constant 0 : i32
        %dma_wait3A_21 = tpu.memref_slice %arg3[%add3A, %scan3A_9, %dma_wait3A_20] : memref<32x79x128xi32, #tpu.memory_space<hbm>> -> memref<1x1x128xi32, #tpu.memory_space<hbm>>
        %dma_wait3A_22 = tpu.memref_squeeze %dma_wait3A_21 : memref<1x1x128xi32, #tpu.memory_space<hbm>> -> memref<128xi32, #tpu.memory_space<hbm>>
        %dma_wait3A_23 = arith.constant 0 : i32
        %dma_wait3A_24 = tpu.memref_slice %arg3[%add3A, %scan3A_9, %dma_wait3A_23] : memref<32x79x128xi32, #tpu.memory_space<hbm>> -> memref<1x1x128xi32, #tpu.memory_space<hbm>>
        %dma_wait3A_25 = tpu.memref_squeeze %dma_wait3A_24 : memref<1x1x128xi32, #tpu.memory_space<hbm>> -> memref<128xi32, #tpu.memory_space<hbm>>
        tpu.wait_dma2 semaphore(%run_scoped3A : memref<!tpu.dma_semaphore, #tpu.memory_space<semaphore_mem>>) src(%dma_wait3A_25 : memref<128xi32, #tpu.memory_space<hbm>>) dst(%arg8 : memref<128xi32, #tpu.memory_space<vmem>>)
        tpu.yield
      }) : () -> ()
      "tpu.region"() ({
        %run_scoped3A = tpu.sem_alloc : memref<!tpu.dma_semaphore, #tpu.memory_space<semaphore_mem>>
        %dma_start3A_14 = arith.constant 0 : i32
        %dma_start3A_15 = tpu.memref_slice %arg4[%add3A, %scan3A_9, %dma_start3A_14] : memref<32x79x128xi32, #tpu.memory_space<hbm>> -> memref<1x1x128xi32, #tpu.memory_space<hbm>>
        %dma_start3A_16 = tpu.memref_squeeze %dma_start3A_15 : memref<1x1x128xi32, #tpu.memory_space<hbm>> -> memref<128xi32, #tpu.memory_space<hbm>>
        %dma_start3A_17 = arith.constant 0 : i32
        %dma_start3A_18 = tpu.memref_slice %arg4[%add3A, %scan3A_9, %dma_start3A_17] : memref<32x79x128xi32, #tpu.memory_space<hbm>> -> memref<1x1x128xi32, #tpu.memory_space<hbm>>
        %dma_start3A_19 = tpu.memref_squeeze %dma_start3A_18 : memref<1x1x128xi32, #tpu.memory_space<hbm>> -> memref<128xi32, #tpu.memory_space<hbm>>
        tpu.enqueue_dma source(%dma_start3A_19 : memref<128xi32, #tpu.memory_space<hbm>>) target(%arg9 : memref<128xi32, #tpu.memory_space<vmem>>) target_semaphore(%run_scoped3A : memref<!tpu.dma_semaphore, #tpu.memory_space<semaphore_mem>>)
        %dma_wait3A_20 = arith.constant 0 : i32
        %dma_wait3A_21 = tpu.memref_slice %arg4[%add3A, %scan3A_9, %dma_wait3A_20] : memref<32x79x128xi32, #tpu.memory_space<hbm>> -> memref<1x1x128xi32, #tpu.memory_space<hbm>>
        %dma_wait3A_22 = tpu.memref_squeeze %dma_wait3A_21 : memref<1x1x128xi32, #tpu.memory_space<hbm>> -> memref<128xi32, #tpu.memory_space<hbm>>
        %dma_wait3A_23 = arith.constant 0 : i32
        %dma_wait3A_24 = tpu.memref_slice %arg4[%add3A, %scan3A_9, %dma_wait3A_23] : memref<32x79x128xi32, #tpu.memory_space<hbm>> -> memref<1x1x128xi32, #tpu.memory_space<hbm>>
        %dma_wait3A_25 = tpu.memref_squeeze %dma_wait3A_24 : memref<1x1x128xi32, #tpu.memory_space<hbm>> -> memref<128xi32, #tpu.memory_space<hbm>>
        tpu.wait_dma2 semaphore(%run_scoped3A : memref<!tpu.dma_semaphore, #tpu.memory_space<semaphore_mem>>) src(%dma_wait3A_25 : memref<128xi32, #tpu.memory_space<hbm>>) dst(%arg9 : memref<128xi32, #tpu.memory_space<vmem>>)
        tpu.yield
      }) : () -> ()
      %dma_start3A = arith.constant 0 : i32
      %dma_start3A_10 = arith.constant 0 : i32
      %dma_start3A_11 = tpu.memref_slice %arg2[%dma_start3A, %dma_start3A_10] : memref<10000x128xf32, #tpu.memory_space<hbm>> -> memref<10000x128xf32, #tpu.memory_space<hbm>>
      tpu.enqueue_indirect_dma source(%dma_start3A_11 : memref<10000x128xf32, #tpu.memory_space<hbm>>) target(%arg10 : memref<128x128xf32, #tpu.memory_space<vmem>>) offsets(%arg8 : memref<128xi32, #tpu.memory_space<vmem>>) semaphore(%arg11 : memref<!tpu.dma_semaphore, #tpu.memory_space<semaphore_mem>>)
      %dma_wait3A = arith.constant 0 : i32
      %dma_wait3A_12 = arith.constant 0 : i32
      %dma_wait3A_13 = tpu.memref_slice %arg2[%dma_wait3A, %dma_wait3A_12] : memref<10000x128xf32, #tpu.memory_space<hbm>> -> memref<10000x128xf32, #tpu.memory_space<hbm>>
      tpu.wait_indirect_dma semaphore(%arg11 : memref<!tpu.dma_semaphore, #tpu.memory_space<semaphore_mem>>) src(%dma_wait3A_13 : memref<10000x128xf32, #tpu.memory_space<hbm>>) dst(%arg10 : memref<128x128xf32, #tpu.memory_space<vmem>>)
      "tpu.region"() ({
        %run_scoped3A = tpu.sem_alloc : memref<!tpu.dma_semaphore, #tpu.memory_space<semaphore_mem>>
        %dma_start3A_14 = arith.constant 0 : i32
        %dma_start3A_15 = arith.constant 0 : i32
        %dma_start3A_16 = tpu.memref_slice %arg7[%dma_start3A_14, %dma_start3A_15] : memref<10112x128xf32, #tpu.memory_space<vmem_shared>> -> memref<10112x128xf32, #tpu.memory_space<vmem_shared>>
        tpu.enqueue_indirect_dma source(%arg10 : memref<128x128xf32, #tpu.memory_space<vmem>>) target(%dma_start3A_16 : memref<10112x128xf32, #tpu.memory_space<vmem_shared>>) offsets(%arg9 : memref<128xi32, #tpu.memory_space<vmem>>) semaphore(%run_scoped3A : memref<!tpu.dma_semaphore, #tpu.memory_space<semaphore_mem>>) {add = true}
        %dma_wait3A_17 = arith.constant 0 : i32
        %dma_wait3A_18 = arith.constant 0 : i32
        %dma_wait3A_19 = tpu.memref_slice %arg7[%dma_wait3A_17, %dma_wait3A_18] : memref<10112x128xf32, #tpu.memory_space<vmem_shared>> -> memref<10112x128xf32, #tpu.memory_space<vmem_shared>>
        tpu.wait_indirect_dma semaphore(%run_scoped3A : memref<!tpu.dma_semaphore, #tpu.memory_space<semaphore_mem>>) src(%arg10 : memref<128x128xf32, #tpu.memory_space<vmem>>) dst(%dma_wait3A_19 : memref<10112x128xf32, #tpu.memory_space<vmem_shared>>)
        tpu.yield
      }) : () -> ()
    }
    %scan3A_7 = arith.constant 79 : i32
    %barrier3A_8 = arith.constant 0 : index
    tpu.barrier barrier_id(%barrier3A_8)
    "tpu.region"() ({
      %run_scoped3A = tpu.sem_alloc : memref<!tpu.dma_semaphore, #tpu.memory_space<semaphore_mem>>
      %dma_start3A = arith.constant 0 : i32
      %dma_start3A_9 = tpu.memref_slice %arg6[%arg0, %mul3A_0, %dma_start3A] : memref<2x10112x128xf32, #tpu.memory_space<hbm>> -> memref<1x632x128xf32, #tpu.memory_space<hbm>>
      %dma_start3A_10 = tpu.memref_squeeze %dma_start3A_9 : memref<1x632x128xf32, #tpu.memory_space<hbm>> -> memref<632x128xf32, #tpu.memory_space<hbm>>
      %dma_start3A_11 = arith.constant 0 : i32
      %dma_start3A_12 = tpu.memref_slice %arg7[%mul3A_0, %dma_start3A_11] : memref<10112x128xf32, #tpu.memory_space<vmem_shared>> -> memref<632x128xf32, #tpu.memory_space<vmem_shared>>
      tpu.enqueue_dma source(%dma_start3A_12 : memref<632x128xf32, #tpu.memory_space<vmem_shared>>) target(%dma_start3A_10 : memref<632x128xf32, #tpu.memory_space<hbm>>) target_semaphore(%run_scoped3A : memref<!tpu.dma_semaphore, #tpu.memory_space<semaphore_mem>>)
      %dma_wait3A = arith.constant 0 : i32
      %dma_wait3A_13 = tpu.memref_slice %arg6[%arg0, %mul3A_0, %dma_wait3A] : memref<2x10112x128xf32, #tpu.memory_space<hbm>> -> memref<1x632x128xf32, #tpu.memory_space<hbm>>
      %dma_wait3A_14 = tpu.memref_squeeze %dma_wait3A_13 : memref<1x632x128xf32, #tpu.memory_space<hbm>> -> memref<632x128xf32, #tpu.memory_space<hbm>>
      %dma_wait3A_15 = arith.constant 0 : i32
      %dma_wait3A_16 = tpu.memref_slice %arg7[%mul3A_0, %dma_wait3A_15] : memref<10112x128xf32, #tpu.memory_space<vmem_shared>> -> memref<632x128xf32, #tpu.memory_space<vmem_shared>>
      tpu.wait_dma2 semaphore(%run_scoped3A : memref<!tpu.dma_semaphore, #tpu.memory_space<semaphore_mem>>) src(%dma_wait3A_16 : memref<632x128xf32, #tpu.memory_space<vmem_shared>>) dst(%dma_wait3A_14 : memref<632x128xf32, #tpu.memory_space<hbm>>)
      tpu.yield
    }) : () -> ()
    return
  }
}

#map = affine_map<(d0, d1) -> (0, 0)>
#map1 = affine_map<(d0, d1) -> (0, 0, 0, 0)>
#map2 = affine_map<(d0, d1) -> (0, 0, 0)>
module attributes {stable_mosaic.version = 14 : i64} {
  func.func @seg_sum(%arg0: i32, %arg1: i32, %arg2: memref<20000x128xf32, #tpu.memory_space<hbm>>, %arg3: memref<2x16x157x128xi32, #tpu.memory_space<hbm>>, %arg4: memref<16x157x128xi32, #tpu.memory_space<hbm>>, %arg5: memref<10112x128xf32, #tpu.memory_space<hbm>>, %arg6: memref<2x10112x128xf32, #tpu.memory_space<hbm>>, %arg7: memref<10112x128xf32, #tpu.memory_space<vmem_shared>>, %arg8: memref<128xi32, #tpu.memory_space<vmem>>, %arg9: memref<128xi32, #tpu.memory_space<vmem>>, %arg10: memref<128x128xf32, #tpu.memory_space<vmem>>, %arg11: memref<!tpu.dma_semaphore, #tpu.memory_space<semaphore_mem>>) attributes {dimension_semantics = [#tpu.dimension_semantics<core_parallel>, #tpu.dimension_semantics<subcore_parallel>], iteration_bounds = array<i64: 2, 16>, scalar_prefetch = 0 : i64, scratch_operands = 5 : i64, tpu.core_type = #tpu.core_type<sc_vector_subcore>, window_params = [{transform_indices = #map}, {transform_indices = #map1}, {transform_indices = #map2}, {transform_indices = #map}, {transform_indices = #map2}]} {
    %mul3A = arith.constant 632 : i32
    %mul3A_0 = arith.muli %arg1, %mul3A : i32
    "tpu.region"() ({
      %run_scoped3A = tpu.sem_alloc : memref<!tpu.dma_semaphore, #tpu.memory_space<semaphore_mem>>
      %dma_start3A = arith.constant 0 : i32
      %dma_start3A_9 = tpu.memref_slice %arg7[%mul3A_0, %dma_start3A] : memref<10112x128xf32, #tpu.memory_space<vmem_shared>> -> memref<632x128xf32, #tpu.memory_space<vmem_shared>>
      %dma_start3A_10 = arith.constant 0 : i32
      %dma_start3A_11 = tpu.memref_slice %arg5[%mul3A_0, %dma_start3A_10] : memref<10112x128xf32, #tpu.memory_space<hbm>> -> memref<632x128xf32, #tpu.memory_space<hbm>>
      tpu.enqueue_dma source(%dma_start3A_11 : memref<632x128xf32, #tpu.memory_space<hbm>>) target(%dma_start3A_9 : memref<632x128xf32, #tpu.memory_space<vmem_shared>>) target_semaphore(%run_scoped3A : memref<!tpu.dma_semaphore, #tpu.memory_space<semaphore_mem>>)
      %dma_wait3A = arith.constant 0 : i32
      %dma_wait3A_12 = tpu.memref_slice %arg7[%mul3A_0, %dma_wait3A] : memref<10112x128xf32, #tpu.memory_space<vmem_shared>> -> memref<632x128xf32, #tpu.memory_space<vmem_shared>>
      %dma_wait3A_13 = arith.constant 0 : i32
      %dma_wait3A_14 = tpu.memref_slice %arg5[%mul3A_0, %dma_wait3A_13] : memref<10112x128xf32, #tpu.memory_space<hbm>> -> memref<632x128xf32, #tpu.memory_space<hbm>>
      tpu.wait_dma2 semaphore(%run_scoped3A : memref<!tpu.dma_semaphore, #tpu.memory_space<semaphore_mem>>) src(%dma_wait3A_14 : memref<632x128xf32, #tpu.memory_space<hbm>>) dst(%dma_wait3A_12 : memref<632x128xf32, #tpu.memory_space<vmem_shared>>)
      tpu.yield
    }) : () -> ()
    %barrier3A = arith.constant 0 : index
    tpu.barrier barrier_id(%barrier3A)
    %mul3A_1 = arith.constant 16 : i32
    %mul3A_2 = arith.muli %arg0, %mul3A_1 : i32
    %add3A = arith.addi %mul3A_2, %arg1 : i32
    %scan3A = arith.constant 0 : i32
    %scan3A_3 = arith.constant 0 : i32
    %scan3A_4 = arith.constant 157 : i32
    %scan3A_5 = arith.addi %scan3A_3, %scan3A_4 : i32
    %scan3A_6 = arith.constant 1 : i32
    scf.for %scan3A_9 = %scan3A_3 to %scan3A_5 step %scan3A_6  : i32 {
      "tpu.region"() ({
        %run_scoped3A = tpu.sem_alloc : memref<!tpu.dma_semaphore, #tpu.memory_space<semaphore_mem>>
        %dma_start3A_14 = arith.constant 0 : i32
        %dma_start3A_15 = tpu.memref_slice %arg3[%arg0, %arg1, %scan3A_9, %dma_start3A_14] : memref<2x16x157x128xi32, #tpu.memory_space<hbm>> -> memref<1x1x1x128xi32, #tpu.memory_space<hbm>>
        %dma_start3A_16 = tpu.memref_squeeze %dma_start3A_15 : memref<1x1x1x128xi32, #tpu.memory_space<hbm>> -> memref<128xi32, #tpu.memory_space<hbm>>
        %dma_start3A_17 = arith.constant 0 : i32
        %dma_start3A_18 = tpu.memref_slice %arg3[%arg0, %arg1, %scan3A_9, %dma_start3A_17] : memref<2x16x157x128xi32, #tpu.memory_space<hbm>> -> memref<1x1x1x128xi32, #tpu.memory_space<hbm>>
        %dma_start3A_19 = tpu.memref_squeeze %dma_start3A_18 : memref<1x1x1x128xi32, #tpu.memory_space<hbm>> -> memref<128xi32, #tpu.memory_space<hbm>>
        tpu.enqueue_dma source(%dma_start3A_19 : memref<128xi32, #tpu.memory_space<hbm>>) target(%arg8 : memref<128xi32, #tpu.memory_space<vmem>>) target_semaphore(%run_scoped3A : memref<!tpu.dma_semaphore, #tpu.memory_space<semaphore_mem>>)
        %dma_wait3A_20 = arith.constant 0 : i32
        %dma_wait3A_21 = tpu.memref_slice %arg3[%arg0, %arg1, %scan3A_9, %dma_wait3A_20] : memref<2x16x157x128xi32, #tpu.memory_space<hbm>> -> memref<1x1x1x128xi32, #tpu.memory_space<hbm>>
        %dma_wait3A_22 = tpu.memref_squeeze %dma_wait3A_21 : memref<1x1x1x128xi32, #tpu.memory_space<hbm>> -> memref<128xi32, #tpu.memory_space<hbm>>
        %dma_wait3A_23 = arith.constant 0 : i32
        %dma_wait3A_24 = tpu.memref_slice %arg3[%arg0, %arg1, %scan3A_9, %dma_wait3A_23] : memref<2x16x157x128xi32, #tpu.memory_space<hbm>> -> memref<1x1x1x128xi32, #tpu.memory_space<hbm>>
        %dma_wait3A_25 = tpu.memref_squeeze %dma_wait3A_24 : memref<1x1x1x128xi32, #tpu.memory_space<hbm>> -> memref<128xi32, #tpu.memory_space<hbm>>
        tpu.wait_dma2 semaphore(%run_scoped3A : memref<!tpu.dma_semaphore, #tpu.memory_space<semaphore_mem>>) src(%dma_wait3A_25 : memref<128xi32, #tpu.memory_space<hbm>>) dst(%arg8 : memref<128xi32, #tpu.memory_space<vmem>>)
        tpu.yield
      }) : () -> ()
      "tpu.region"() ({
        %run_scoped3A = tpu.sem_alloc : memref<!tpu.dma_semaphore, #tpu.memory_space<semaphore_mem>>
        %dma_start3A_14 = arith.constant 0 : i32
        %dma_start3A_15 = tpu.memref_slice %arg4[%arg1, %scan3A_9, %dma_start3A_14] : memref<16x157x128xi32, #tpu.memory_space<hbm>> -> memref<1x1x128xi32, #tpu.memory_space<hbm>>
        %dma_start3A_16 = tpu.memref_squeeze %dma_start3A_15 : memref<1x1x128xi32, #tpu.memory_space<hbm>> -> memref<128xi32, #tpu.memory_space<hbm>>
        %dma_start3A_17 = arith.constant 0 : i32
        %dma_start3A_18 = tpu.memref_slice %arg4[%arg1, %scan3A_9, %dma_start3A_17] : memref<16x157x128xi32, #tpu.memory_space<hbm>> -> memref<1x1x128xi32, #tpu.memory_space<hbm>>
        %dma_start3A_19 = tpu.memref_squeeze %dma_start3A_18 : memref<1x1x128xi32, #tpu.memory_space<hbm>> -> memref<128xi32, #tpu.memory_space<hbm>>
        tpu.enqueue_dma source(%dma_start3A_19 : memref<128xi32, #tpu.memory_space<hbm>>) target(%arg9 : memref<128xi32, #tpu.memory_space<vmem>>) target_semaphore(%run_scoped3A : memref<!tpu.dma_semaphore, #tpu.memory_space<semaphore_mem>>)
        %dma_wait3A_20 = arith.constant 0 : i32
        %dma_wait3A_21 = tpu.memref_slice %arg4[%arg1, %scan3A_9, %dma_wait3A_20] : memref<16x157x128xi32, #tpu.memory_space<hbm>> -> memref<1x1x128xi32, #tpu.memory_space<hbm>>
        %dma_wait3A_22 = tpu.memref_squeeze %dma_wait3A_21 : memref<1x1x128xi32, #tpu.memory_space<hbm>> -> memref<128xi32, #tpu.memory_space<hbm>>
        %dma_wait3A_23 = arith.constant 0 : i32
        %dma_wait3A_24 = tpu.memref_slice %arg4[%arg1, %scan3A_9, %dma_wait3A_23] : memref<16x157x128xi32, #tpu.memory_space<hbm>> -> memref<1x1x128xi32, #tpu.memory_space<hbm>>
        %dma_wait3A_25 = tpu.memref_squeeze %dma_wait3A_24 : memref<1x1x128xi32, #tpu.memory_space<hbm>> -> memref<128xi32, #tpu.memory_space<hbm>>
        tpu.wait_dma2 semaphore(%run_scoped3A : memref<!tpu.dma_semaphore, #tpu.memory_space<semaphore_mem>>) src(%dma_wait3A_25 : memref<128xi32, #tpu.memory_space<hbm>>) dst(%arg9 : memref<128xi32, #tpu.memory_space<vmem>>)
        tpu.yield
      }) : () -> ()
      %dma_start3A = arith.constant 0 : i32
      %dma_start3A_10 = arith.constant 0 : i32
      %dma_start3A_11 = tpu.memref_slice %arg2[%dma_start3A, %dma_start3A_10] : memref<20000x128xf32, #tpu.memory_space<hbm>> -> memref<20000x128xf32, #tpu.memory_space<hbm>>
      tpu.enqueue_indirect_dma source(%dma_start3A_11 : memref<20000x128xf32, #tpu.memory_space<hbm>>) target(%arg10 : memref<128x128xf32, #tpu.memory_space<vmem>>) offsets(%arg8 : memref<128xi32, #tpu.memory_space<vmem>>) semaphore(%arg11 : memref<!tpu.dma_semaphore, #tpu.memory_space<semaphore_mem>>)
      %dma_wait3A = arith.constant 0 : i32
      %dma_wait3A_12 = arith.constant 0 : i32
      %dma_wait3A_13 = tpu.memref_slice %arg2[%dma_wait3A, %dma_wait3A_12] : memref<20000x128xf32, #tpu.memory_space<hbm>> -> memref<20000x128xf32, #tpu.memory_space<hbm>>
      tpu.wait_indirect_dma semaphore(%arg11 : memref<!tpu.dma_semaphore, #tpu.memory_space<semaphore_mem>>) src(%dma_wait3A_13 : memref<20000x128xf32, #tpu.memory_space<hbm>>) dst(%arg10 : memref<128x128xf32, #tpu.memory_space<vmem>>)
      "tpu.region"() ({
        %run_scoped3A = tpu.sem_alloc : memref<!tpu.dma_semaphore, #tpu.memory_space<semaphore_mem>>
        %dma_start3A_14 = arith.constant 0 : i32
        %dma_start3A_15 = arith.constant 0 : i32
        %dma_start3A_16 = tpu.memref_slice %arg7[%dma_start3A_14, %dma_start3A_15] : memref<10112x128xf32, #tpu.memory_space<vmem_shared>> -> memref<10112x128xf32, #tpu.memory_space<vmem_shared>>
        tpu.enqueue_indirect_dma source(%arg10 : memref<128x128xf32, #tpu.memory_space<vmem>>) target(%dma_start3A_16 : memref<10112x128xf32, #tpu.memory_space<vmem_shared>>) offsets(%arg9 : memref<128xi32, #tpu.memory_space<vmem>>) semaphore(%run_scoped3A : memref<!tpu.dma_semaphore, #tpu.memory_space<semaphore_mem>>) {add = true}
        %dma_wait3A_17 = arith.constant 0 : i32
        %dma_wait3A_18 = arith.constant 0 : i32
        %dma_wait3A_19 = tpu.memref_slice %arg7[%dma_wait3A_17, %dma_wait3A_18] : memref<10112x128xf32, #tpu.memory_space<vmem_shared>> -> memref<10112x128xf32, #tpu.memory_space<vmem_shared>>
        tpu.wait_indirect_dma semaphore(%run_scoped3A : memref<!tpu.dma_semaphore, #tpu.memory_space<semaphore_mem>>) src(%arg10 : memref<128x128xf32, #tpu.memory_space<vmem>>) dst(%dma_wait3A_19 : memref<10112x128xf32, #tpu.memory_space<vmem_shared>>)
        tpu.yield
      }) : () -> ()
    }
    %scan3A_7 = arith.constant 157 : i32
    %barrier3A_8 = arith.constant 0 : index
    tpu.barrier barrier_id(%barrier3A_8)
    "tpu.region"() ({
      %run_scoped3A = tpu.sem_alloc : memref<!tpu.dma_semaphore, #tpu.memory_space<semaphore_mem>>
      %dma_start3A = arith.constant 0 : i32
      %dma_start3A_9 = tpu.memref_slice %arg6[%arg0, %mul3A_0, %dma_start3A] : memref<2x10112x128xf32, #tpu.memory_space<hbm>> -> memref<1x632x128xf32, #tpu.memory_space<hbm>>
      %dma_start3A_10 = tpu.memref_squeeze %dma_start3A_9 : memref<1x632x128xf32, #tpu.memory_space<hbm>> -> memref<632x128xf32, #tpu.memory_space<hbm>>
      %dma_start3A_11 = arith.constant 0 : i32
      %dma_start3A_12 = tpu.memref_slice %arg7[%mul3A_0, %dma_start3A_11] : memref<10112x128xf32, #tpu.memory_space<vmem_shared>> -> memref<632x128xf32, #tpu.memory_space<vmem_shared>>
      tpu.enqueue_dma source(%dma_start3A_12 : memref<632x128xf32, #tpu.memory_space<vmem_shared>>) target(%dma_start3A_10 : memref<632x128xf32, #tpu.memory_space<hbm>>) target_semaphore(%run_scoped3A : memref<!tpu.dma_semaphore, #tpu.memory_space<semaphore_mem>>)
      %dma_wait3A = arith.constant 0 : i32
      %dma_wait3A_13 = tpu.memref_slice %arg6[%arg0, %mul3A_0, %dma_wait3A] : memref<2x10112x128xf32, #tpu.memory_space<hbm>> -> memref<1x632x128xf32, #tpu.memory_space<hbm>>
      %dma_wait3A_14 = tpu.memref_squeeze %dma_wait3A_13 : memref<1x632x128xf32, #tpu.memory_space<hbm>> -> memref<632x128xf32, #tpu.memory_space<hbm>>
      %dma_wait3A_15 = arith.constant 0 : i32
      %dma_wait3A_16 = tpu.memref_slice %arg7[%mul3A_0, %dma_wait3A_15] : memref<10112x128xf32, #tpu.memory_space<vmem_shared>> -> memref<632x128xf32, #tpu.memory_space<vmem_shared>>
      tpu.wait_dma2 semaphore(%run_scoped3A : memref<!tpu.dma_semaphore, #tpu.memory_space<semaphore_mem>>) src(%dma_wait3A_16 : memref<632x128xf32, #tpu.memory_space<vmem_shared>>) dst(%dma_wait3A_14 : memref<632x128xf32, #tpu.memory_space<hbm>>)
      tpu.yield
    }) : () -> ()
    return
  }
}

#map = affine_map<(d0, d1) -> (0, 0)>
#map1 = affine_map<(d0, d1) -> (0, 0, 0)>
module attributes {stable_mosaic.version = 14 : i64} {
  func.func @seg_sum(%arg0: i32, %arg1: i32, %arg2: memref<10000x128xf32, #tpu.memory_space<hbm>>, %arg3: memref<32x79x128xi32, #tpu.memory_space<hbm>>, %arg4: memref<32x79x128xi32, #tpu.memory_space<hbm>>, %arg5: memref<10112x128xf32, #tpu.memory_space<hbm>>, %arg6: memref<2x10112x128xf32, #tpu.memory_space<hbm>>, %arg7: memref<10112x128xf32, #tpu.memory_space<vmem_shared>>, %arg8: memref<128xi32, #tpu.memory_space<vmem>>, %arg9: memref<128xi32, #tpu.memory_space<vmem>>, %arg10: memref<128x128xf32, #tpu.memory_space<vmem>>, %arg11: memref<!tpu.dma_semaphore, #tpu.memory_space<semaphore_mem>>) attributes {dimension_semantics = [#tpu.dimension_semantics<core_parallel>, #tpu.dimension_semantics<subcore_parallel>], iteration_bounds = array<i64: 2, 16>, scalar_prefetch = 0 : i64, scratch_operands = 5 : i64, tpu.core_type = #tpu.core_type<sc_vector_subcore>, window_params = [{transform_indices = #map}, {transform_indices = #map1}, {transform_indices = #map1}, {transform_indices = #map}, {transform_indices = #map1}]} {
    %mul3A = arith.constant 632 : i32
    %mul3A_0 = arith.muli %arg1, %mul3A : i32
    "tpu.region"() ({
      %run_scoped3A = tpu.sem_alloc : memref<!tpu.dma_semaphore, #tpu.memory_space<semaphore_mem>>
      %dma_start3A = arith.constant 0 : i32
      %dma_start3A_9 = tpu.memref_slice %arg7[%mul3A_0, %dma_start3A] : memref<10112x128xf32, #tpu.memory_space<vmem_shared>> -> memref<632x128xf32, #tpu.memory_space<vmem_shared>>
      %dma_start3A_10 = arith.constant 0 : i32
      %dma_start3A_11 = tpu.memref_slice %arg5[%mul3A_0, %dma_start3A_10] : memref<10112x128xf32, #tpu.memory_space<hbm>> -> memref<632x128xf32, #tpu.memory_space<hbm>>
      tpu.enqueue_dma source(%dma_start3A_11 : memref<632x128xf32, #tpu.memory_space<hbm>>) target(%dma_start3A_9 : memref<632x128xf32, #tpu.memory_space<vmem_shared>>) target_semaphore(%run_scoped3A : memref<!tpu.dma_semaphore, #tpu.memory_space<semaphore_mem>>)
      %dma_wait3A = arith.constant 0 : i32
      %dma_wait3A_12 = tpu.memref_slice %arg7[%mul3A_0, %dma_wait3A] : memref<10112x128xf32, #tpu.memory_space<vmem_shared>> -> memref<632x128xf32, #tpu.memory_space<vmem_shared>>
      %dma_wait3A_13 = arith.constant 0 : i32
      %dma_wait3A_14 = tpu.memref_slice %arg5[%mul3A_0, %dma_wait3A_13] : memref<10112x128xf32, #tpu.memory_space<hbm>> -> memref<632x128xf32, #tpu.memory_space<hbm>>
      tpu.wait_dma2 semaphore(%run_scoped3A : memref<!tpu.dma_semaphore, #tpu.memory_space<semaphore_mem>>) src(%dma_wait3A_14 : memref<632x128xf32, #tpu.memory_space<hbm>>) dst(%dma_wait3A_12 : memref<632x128xf32, #tpu.memory_space<vmem_shared>>)
      tpu.yield
    }) : () -> ()
    %barrier3A = arith.constant 0 : index
    tpu.barrier barrier_id(%barrier3A)
    %mul3A_1 = arith.constant 16 : i32
    %mul3A_2 = arith.muli %arg0, %mul3A_1 : i32
    %add3A = arith.addi %mul3A_2, %arg1 : i32
    %scan3A = arith.constant 0 : i32
    %scan3A_3 = arith.constant 0 : i32
    %scan3A_4 = arith.constant 79 : i32
    %scan3A_5 = arith.addi %scan3A_3, %scan3A_4 : i32
    %scan3A_6 = arith.constant 1 : i32
    scf.for %scan3A_9 = %scan3A_3 to %scan3A_5 step %scan3A_6  : i32 {
      "tpu.region"() ({
        %run_scoped3A = tpu.sem_alloc : memref<!tpu.dma_semaphore, #tpu.memory_space<semaphore_mem>>
        %dma_start3A_14 = arith.constant 0 : i32
        %dma_start3A_15 = tpu.memref_slice %arg3[%add3A, %scan3A_9, %dma_start3A_14] : memref<32x79x128xi32, #tpu.memory_space<hbm>> -> memref<1x1x128xi32, #tpu.memory_space<hbm>>
        %dma_start3A_16 = tpu.memref_squeeze %dma_start3A_15 : memref<1x1x128xi32, #tpu.memory_space<hbm>> -> memref<128xi32, #tpu.memory_space<hbm>>
        %dma_start3A_17 = arith.constant 0 : i32
        %dma_start3A_18 = tpu.memref_slice %arg3[%add3A, %scan3A_9, %dma_start3A_17] : memref<32x79x128xi32, #tpu.memory_space<hbm>> -> memref<1x1x128xi32, #tpu.memory_space<hbm>>
        %dma_start3A_19 = tpu.memref_squeeze %dma_start3A_18 : memref<1x1x128xi32, #tpu.memory_space<hbm>> -> memref<128xi32, #tpu.memory_space<hbm>>
        tpu.enqueue_dma source(%dma_start3A_19 : memref<128xi32, #tpu.memory_space<hbm>>) target(%arg8 : memref<128xi32, #tpu.memory_space<vmem>>) target_semaphore(%run_scoped3A : memref<!tpu.dma_semaphore, #tpu.memory_space<semaphore_mem>>)
        %dma_wait3A_20 = arith.constant 0 : i32
        %dma_wait3A_21 = tpu.memref_slice %arg3[%add3A, %scan3A_9, %dma_wait3A_20] : memref<32x79x128xi32, #tpu.memory_space<hbm>> -> memref<1x1x128xi32, #tpu.memory_space<hbm>>
        %dma_wait3A_22 = tpu.memref_squeeze %dma_wait3A_21 : memref<1x1x128xi32, #tpu.memory_space<hbm>> -> memref<128xi32, #tpu.memory_space<hbm>>
        %dma_wait3A_23 = arith.constant 0 : i32
        %dma_wait3A_24 = tpu.memref_slice %arg3[%add3A, %scan3A_9, %dma_wait3A_23] : memref<32x79x128xi32, #tpu.memory_space<hbm>> -> memref<1x1x128xi32, #tpu.memory_space<hbm>>
        %dma_wait3A_25 = tpu.memref_squeeze %dma_wait3A_24 : memref<1x1x128xi32, #tpu.memory_space<hbm>> -> memref<128xi32, #tpu.memory_space<hbm>>
        tpu.wait_dma2 semaphore(%run_scoped3A : memref<!tpu.dma_semaphore, #tpu.memory_space<semaphore_mem>>) src(%dma_wait3A_25 : memref<128xi32, #tpu.memory_space<hbm>>) dst(%arg8 : memref<128xi32, #tpu.memory_space<vmem>>)
        tpu.yield
      }) : () -> ()
      "tpu.region"() ({
        %run_scoped3A = tpu.sem_alloc : memref<!tpu.dma_semaphore, #tpu.memory_space<semaphore_mem>>
        %dma_start3A_14 = arith.constant 0 : i32
        %dma_start3A_15 = tpu.memref_slice %arg4[%add3A, %scan3A_9, %dma_start3A_14] : memref<32x79x128xi32, #tpu.memory_space<hbm>> -> memref<1x1x128xi32, #tpu.memory_space<hbm>>
        %dma_start3A_16 = tpu.memref_squeeze %dma_start3A_15 : memref<1x1x128xi32, #tpu.memory_space<hbm>> -> memref<128xi32, #tpu.memory_space<hbm>>
        %dma_start3A_17 = arith.constant 0 : i32
        %dma_start3A_18 = tpu.memref_slice %arg4[%add3A, %scan3A_9, %dma_start3A_17] : memref<32x79x128xi32, #tpu.memory_space<hbm>> -> memref<1x1x128xi32, #tpu.memory_space<hbm>>
        %dma_start3A_19 = tpu.memref_squeeze %dma_start3A_18 : memref<1x1x128xi32, #tpu.memory_space<hbm>> -> memref<128xi32, #tpu.memory_space<hbm>>
        tpu.enqueue_dma source(%dma_start3A_19 : memref<128xi32, #tpu.memory_space<hbm>>) target(%arg9 : memref<128xi32, #tpu.memory_space<vmem>>) target_semaphore(%run_scoped3A : memref<!tpu.dma_semaphore, #tpu.memory_space<semaphore_mem>>)
        %dma_wait3A_20 = arith.constant 0 : i32
        %dma_wait3A_21 = tpu.memref_slice %arg4[%add3A, %scan3A_9, %dma_wait3A_20] : memref<32x79x128xi32, #tpu.memory_space<hbm>> -> memref<1x1x128xi32, #tpu.memory_space<hbm>>
        %dma_wait3A_22 = tpu.memref_squeeze %dma_wait3A_21 : memref<1x1x128xi32, #tpu.memory_space<hbm>> -> memref<128xi32, #tpu.memory_space<hbm>>
        %dma_wait3A_23 = arith.constant 0 : i32
        %dma_wait3A_24 = tpu.memref_slice %arg4[%add3A, %scan3A_9, %dma_wait3A_23] : memref<32x79x128xi32, #tpu.memory_space<hbm>> -> memref<1x1x128xi32, #tpu.memory_space<hbm>>
        %dma_wait3A_25 = tpu.memref_squeeze %dma_wait3A_24 : memref<1x1x128xi32, #tpu.memory_space<hbm>> -> memref<128xi32, #tpu.memory_space<hbm>>
        tpu.wait_dma2 semaphore(%run_scoped3A : memref<!tpu.dma_semaphore, #tpu.memory_space<semaphore_mem>>) src(%dma_wait3A_25 : memref<128xi32, #tpu.memory_space<hbm>>) dst(%arg9 : memref<128xi32, #tpu.memory_space<vmem>>)
        tpu.yield
      }) : () -> ()
      %dma_start3A = arith.constant 0 : i32
      %dma_start3A_10 = arith.constant 0 : i32
      %dma_start3A_11 = tpu.memref_slice %arg2[%dma_start3A, %dma_start3A_10] : memref<10000x128xf32, #tpu.memory_space<hbm>> -> memref<10000x128xf32, #tpu.memory_space<hbm>>
      tpu.enqueue_indirect_dma source(%dma_start3A_11 : memref<10000x128xf32, #tpu.memory_space<hbm>>) target(%arg10 : memref<128x128xf32, #tpu.memory_space<vmem>>) offsets(%arg8 : memref<128xi32, #tpu.memory_space<vmem>>) semaphore(%arg11 : memref<!tpu.dma_semaphore, #tpu.memory_space<semaphore_mem>>)
      %dma_wait3A = arith.constant 0 : i32
      %dma_wait3A_12 = arith.constant 0 : i32
      %dma_wait3A_13 = tpu.memref_slice %arg2[%dma_wait3A, %dma_wait3A_12] : memref<10000x128xf32, #tpu.memory_space<hbm>> -> memref<10000x128xf32, #tpu.memory_space<hbm>>
      tpu.wait_indirect_dma semaphore(%arg11 : memref<!tpu.dma_semaphore, #tpu.memory_space<semaphore_mem>>) src(%dma_wait3A_13 : memref<10000x128xf32, #tpu.memory_space<hbm>>) dst(%arg10 : memref<128x128xf32, #tpu.memory_space<vmem>>)
      "tpu.region"() ({
        %run_scoped3A = tpu.sem_alloc : memref<!tpu.dma_semaphore, #tpu.memory_space<semaphore_mem>>
        %dma_start3A_14 = arith.constant 0 : i32
        %dma_start3A_15 = arith.constant 0 : i32
        %dma_start3A_16 = tpu.memref_slice %arg7[%dma_start3A_14, %dma_start3A_15] : memref<10112x128xf32, #tpu.memory_space<vmem_shared>> -> memref<10112x128xf32, #tpu.memory_space<vmem_shared>>
        tpu.enqueue_indirect_dma source(%arg10 : memref<128x128xf32, #tpu.memory_space<vmem>>) target(%dma_start3A_16 : memref<10112x128xf32, #tpu.memory_space<vmem_shared>>) offsets(%arg9 : memref<128xi32, #tpu.memory_space<vmem>>) semaphore(%run_scoped3A : memref<!tpu.dma_semaphore, #tpu.memory_space<semaphore_mem>>) {add = true}
        %dma_wait3A_17 = arith.constant 0 : i32
        %dma_wait3A_18 = arith.constant 0 : i32
        %dma_wait3A_19 = tpu.memref_slice %arg7[%dma_wait3A_17, %dma_wait3A_18] : memref<10112x128xf32, #tpu.memory_space<vmem_shared>> -> memref<10112x128xf32, #tpu.memory_space<vmem_shared>>
        tpu.wait_indirect_dma semaphore(%run_scoped3A : memref<!tpu.dma_semaphore, #tpu.memory_space<semaphore_mem>>) src(%arg10 : memref<128x128xf32, #tpu.memory_space<vmem>>) dst(%dma_wait3A_19 : memref<10112x128xf32, #tpu.memory_space<vmem_shared>>)
        tpu.yield
      }) : () -> ()
    }
    %scan3A_7 = arith.constant 79 : i32
    %barrier3A_8 = arith.constant 0 : index
    tpu.barrier barrier_id(%barrier3A_8)
    "tpu.region"() ({
      %run_scoped3A = tpu.sem_alloc : memref<!tpu.dma_semaphore, #tpu.memory_space<semaphore_mem>>
      %dma_start3A = arith.constant 0 : i32
      %dma_start3A_9 = tpu.memref_slice %arg6[%arg0, %mul3A_0, %dma_start3A] : memref<2x10112x128xf32, #tpu.memory_space<hbm>> -> memref<1x632x128xf32, #tpu.memory_space<hbm>>
      %dma_start3A_10 = tpu.memref_squeeze %dma_start3A_9 : memref<1x632x128xf32, #tpu.memory_space<hbm>> -> memref<632x128xf32, #tpu.memory_space<hbm>>
      %dma_start3A_11 = arith.constant 0 : i32
      %dma_start3A_12 = tpu.memref_slice %arg7[%mul3A_0, %dma_start3A_11] : memref<10112x128xf32, #tpu.memory_space<vmem_shared>> -> memref<632x128xf32, #tpu.memory_space<vmem_shared>>
      tpu.enqueue_dma source(%dma_start3A_12 : memref<632x128xf32, #tpu.memory_space<vmem_shared>>) target(%dma_start3A_10 : memref<632x128xf32, #tpu.memory_space<hbm>>) target_semaphore(%run_scoped3A : memref<!tpu.dma_semaphore, #tpu.memory_space<semaphore_mem>>)
      %dma_wait3A = arith.constant 0 : i32
      %dma_wait3A_13 = tpu.memref_slice %arg6[%arg0, %mul3A_0, %dma_wait3A] : memref<2x10112x128xf32, #tpu.memory_space<hbm>> -> memref<1x632x128xf32, #tpu.memory_space<hbm>>
      %dma_wait3A_14 = tpu.memref_squeeze %dma_wait3A_13 : memref<1x632x128xf32, #tpu.memory_space<hbm>> -> memref<632x128xf32, #tpu.memory_space<hbm>>
      %dma_wait3A_15 = arith.constant 0 : i32
      %dma_wait3A_16 = tpu.memref_slice %arg7[%mul3A_0, %dma_wait3A_15] : memref<10112x128xf32, #tpu.memory_space<vmem_shared>> -> memref<632x128xf32, #tpu.memory_space<vmem_shared>>
      tpu.wait_dma2 semaphore(%run_scoped3A : memref<!tpu.dma_semaphore, #tpu.memory_space<semaphore_mem>>) src(%dma_wait3A_16 : memref<632x128xf32, #tpu.memory_space<vmem_shared>>) dst(%dma_wait3A_14 : memref<632x128xf32, #tpu.memory_space<hbm>>)
      tpu.yield
    }) : () -> ()
    return
  }
}

module attributes {stable_mosaic.version = 14 : i64} {
  func.func @body(%arg0: i32, %arg1: memref<2x1024x128xf32, #tpu.memory_space<vmem>>, %arg2: memref<1024x128xf32, #tpu.memory_space<vmem>>, %arg3: memref<400x128xf32, #tpu.memory_space<vmem>>, %arg4: memref<1x400xf32, #tpu.memory_space<vmem>>, %arg5: memref<400x128xf32, #tpu.memory_space<vmem>>, %arg6: memref<128x400xf32, #tpu.memory_space<vmem>>, %arg7: memref<128x400xf32, #tpu.memory_space<vmem>>, %arg8: memref<1024x400xf32, #tpu.memory_space<vmem>>, %arg9: memref<2x1024x128xf32, #tpu.memory_space<vmem>>) attributes {dimension_semantics = [#tpu.dimension_semantics<arbitrary>], iteration_bounds = array<i64: 10>, scalar_prefetch = 0 : i64, scratch_operands = 0 : i64, tpu.core_type = #tpu.core_type<tc>, window_params = [{transform_indices = @transform_0, window_bounds = array<i64: 2, 1024, 128>}, {transform_indices = @transform_1, window_bounds = array<i64: 1024, 128>}, {pipeline_mode = #tpu.pipeline_mode<synchronous>, transform_indices = @transform_2, window_bounds = array<i64: 400, 128>}, {pipeline_mode = #tpu.pipeline_mode<synchronous>, transform_indices = @transform_3, window_bounds = array<i64: 1, 400>}, {pipeline_mode = #tpu.pipeline_mode<synchronous>, transform_indices = @transform_4, window_bounds = array<i64: 400, 128>}, {pipeline_mode = #tpu.pipeline_mode<synchronous>, transform_indices = @transform_5, window_bounds = array<i64: 128, 400>}, {pipeline_mode = #tpu.pipeline_mode<synchronous>, transform_indices = @transform_6, window_bounds = array<i64: 128, 400>}, {transform_indices = @transform_7, window_bounds = array<i64: 1024, 400>}, {transform_indices = @transform_8, window_bounds = array<i64: 2, 1024, 128>}]} {
    %get3A = arith.constant 0 : index
    %get3A_0 = arith.constant 0 : index
    %get3A_1 = arith.constant 0 : index
    %get3A_2 = vector.load %arg1[%get3A, %get3A_0, %get3A_1] : memref<2x1024x128xf32, #tpu.memory_space<vmem>>, vector<2x1024x128xf32>
    %slice3A = vector.extract_strided_slice %get3A_2 {offsets = [0, 0, 0], sizes = [1, 1024, 128], strides = [1, 1, 1]} : vector<2x1024x128xf32> to vector<1x1024x128xf32>
    %squeeze3A = vector.shape_cast %slice3A : vector<1x1024x128xf32> to vector<1024x128xf32>
    %slice3A_3 = vector.extract_strided_slice %get3A_2 {offsets = [1, 0, 0], sizes = [1, 1024, 128], strides = [1, 1, 1]} : vector<2x1024x128xf32> to vector<1x1024x128xf32>
    %squeeze3A_4 = vector.shape_cast %slice3A_3 : vector<1x1024x128xf32> to vector<1024x128xf32>
    %add3A = arith.addf %squeeze3A, %squeeze3A_4 : vector<1024x128xf32>
    %get3A_5 = arith.constant 0 : index
    %get3A_6 = arith.constant 0 : index
    %get3A_7 = vector.load %arg3[%get3A_5, %get3A_6] : memref<400x128xf32, #tpu.memory_space<vmem>>, vector<400x128xf32>
    %dot_general3A = arith.constant dense<0.000000e+00> : vector<1024x400xf32>
    %dot_general3A_8 = tpu.matmul %add3A, %get3A_7, %dot_general3A {dimension_numbers = #tpu.dot_dimension_numbers<[1], [1], [0], [0], [0, 0, 1, 0], [], []>, transpose_lhs_hint = false} : vector<1024x128xf32>, vector<400x128xf32>, vector<1024x400xf32> -> vector<1024x400xf32>
    %get3A_9 = arith.constant 0 : index
    %get3A_10 = arith.constant 0 : index
    %get3A_11 = vector.load %arg4[%get3A_9, %get3A_10] : memref<1x400xf32, #tpu.memory_space<vmem>>, vector<1x400xf32>
    %add3A_12 = vector.broadcast %get3A_11 : vector<1x400xf32> to vector<1024x400xf32>
    %add3A_13 = arith.addf %dot_general3A_8, %add3A_12 : vector<1024x400xf32>
    %get3A_14 = arith.constant 0 : index
    %get3A_15 = arith.constant 0 : index
    %get3A_16 = vector.load %arg2[%get3A_14, %get3A_15] : memref<1024x128xf32, #tpu.memory_space<vmem>>, vector<1024x128xf32>
    %get3A_17 = arith.constant 0 : index
    %get3A_18 = arith.constant 0 : index
    %get3A_19 = vector.load %arg5[%get3A_17, %get3A_18] : memref<400x128xf32, #tpu.memory_space<vmem>>, vector<400x128xf32>
    %dot_general3A_20 = arith.constant dense<0.000000e+00> : vector<1024x400xf32>
    %dot_general3A_21 = tpu.matmul %get3A_16, %get3A_19, %dot_general3A_20 {dimension_numbers = #tpu.dot_dimension_numbers<[1], [1], [0], [0], [0, 0, 1, 0], [], []>, transpose_lhs_hint = false} : vector<1024x128xf32>, vector<400x128xf32>, vector<1024x400xf32> -> vector<1024x400xf32>
    %add3A_22 = arith.addf %add3A_13, %dot_general3A_21 : vector<1024x400xf32>
    %max3A = arith.constant 0.000000e+00 : f32
    %max3A_23 = vector.broadcast %max3A : f32 to vector<1024x400xf32>
    %max3A_24 = arith.maximumf %add3A_22, %max3A_23 : vector<1024x400xf32>
    %swap3A = arith.constant 0 : index
    %swap3A_25 = arith.constant 0 : index
    %swap3A_26 = vector.load %arg8[%swap3A, %swap3A_25] : memref<1024x400xf32, #tpu.memory_space<vmem>>, vector<1024x400xf32>
    tpu.vector_store %arg8[%swap3A, %swap3A_25], %max3A_24 {strides = array<i32>} : memref<1024x400xf32, #tpu.memory_space<vmem>>, vector<1024x400xf32>,
    %get3A_27 = arith.constant 0 : index
    %get3A_28 = arith.constant 0 : index
    %get3A_29 = vector.load %arg6[%get3A_27, %get3A_28] : memref<128x400xf32, #tpu.memory_space<vmem>>, vector<128x400xf32>
    %dot_general3A_30 = arith.constant dense<0.000000e+00> : vector<1024x128xf32>
    %dot_general3A_31 = tpu.matmul %max3A_24, %get3A_29, %dot_general3A_30 {dimension_numbers = #tpu.dot_dimension_numbers<[1], [1], [0], [0], [0, 0, 1, 0], [], []>, transpose_lhs_hint = false} : vector<1024x400xf32>, vector<128x400xf32>, vector<1024x128xf32> -> vector<1024x128xf32>
    %swap3A_32 = arith.constant 0 : index
    %swap3A_33 = arith.constant 0 : index
    %swap3A_34 = arith.constant 0 : index
    %swap3A_35 = vector.load %arg9[%swap3A_32, %swap3A_33, %swap3A_34] : memref<2x1024x128xf32, #tpu.memory_space<vmem>>, vector<1x1024x128xf32>
    %swap3A_36 = vector.shape_cast %swap3A_35 : vector<1x1024x128xf32> to vector<1024x128xf32>
    %swap3A_37 = vector.shape_cast %dot_general3A_31 : vector<1024x128xf32> to vector<1x1024x128xf32>
    tpu.vector_store %arg9[%swap3A_32, %swap3A_33, %swap3A_34], %swap3A_37 {strides = array<i32>} : memref<2x1024x128xf32, #tpu.memory_space<vmem>>, vector<1x1024x128xf32>,
    %get3A_38 = arith.constant 0 : index
    %get3A_39 = arith.constant 0 : index
    %get3A_40 = vector.load %arg7[%get3A_38, %get3A_39] : memref<128x400xf32, #tpu.memory_space<vmem>>, vector<128x400xf32>
    %dot_general3A_41 = arith.constant dense<0.000000e+00> : vector<1024x128xf32>
    %dot_general3A_42 = tpu.matmul %max3A_24, %get3A_40, %dot_general3A_41 {dimension_numbers = #tpu.dot_dimension_numbers<[1], [1], [0], [0], [0, 0, 1, 0], [], []>, transpose_lhs_hint = false} : vector<1024x400xf32>, vector<128x400xf32>, vector<1024x128xf32> -> vector<1024x128xf32>
    %swap3A_43 = arith.constant 1 : index
    %swap3A_44 = arith.constant 0 : index
    %swap3A_45 = arith.constant 0 : index
    %swap3A_46 = vector.load %arg9[%swap3A_43, %swap3A_44, %swap3A_45] : memref<2x1024x128xf32, #tpu.memory_space<vmem>>, vector<1x1024x128xf32>
    %swap3A_47 = vector.shape_cast %swap3A_46 : vector<1x1024x128xf32> to vector<1024x128xf32>
    %swap3A_48 = vector.shape_cast %dot_general3A_42 : vector<1024x128xf32> to vector<1x1024x128xf32>
    tpu.vector_store %arg9[%swap3A_43, %swap3A_44, %swap3A_45], %swap3A_48 {strides = array<i32>} : memref<2x1024x128xf32, #tpu.memory_space<vmem>>, vector<1x1024x128xf32>,
    return
  }
  func.func @transform_0(%arg0: i32) -> (i32, i32, i32) {
    %c0_i32 = arith.constant 0 : i32
    %c0_i32_0 = arith.constant 0 : i32
    %c0_i32_1 = arith.constant 0 : i32
    return %c0_i32, %arg0, %c0_i32_0 : i32, i32, i32
  }
  func.func @transform_1(%arg0: i32) -> (i32, i32) {
    %c0_i32 = arith.constant 0 : i32
    %c0_i32_0 = arith.constant 0 : i32
    return %arg0, %c0_i32 : i32, i32
  }
  func.func @transform_2(%arg0: i32) -> (i32, i32) {
    %c0_i32 = arith.constant 0 : i32
    %c0_i32_0 = arith.constant 0 : i32
    %c0_i32_1 = arith.constant 0 : i32
    return %c0_i32, %c0_i32_0 : i32, i32
  }
  func.func @transform_3(%arg0: i32) -> (i32, i32) {
    %c0_i32 = arith.constant 0 : i32
    %c0_i32_0 = arith.constant 0 : i32
    %c0_i32_1 = arith.constant 0 : i32
    return %c0_i32, %c0_i32_0 : i32, i32
  }
  func.func @transform_4(%arg0: i32) -> (i32, i32) {
    %c0_i32 = arith.constant 0 : i32
    %c0_i32_0 = arith.constant 0 : i32
    %c0_i32_1 = arith.constant 0 : i32
    return %c0_i32, %c0_i32_0 : i32, i32
  }
  func.func @transform_5(%arg0: i32) -> (i32, i32) {
    %c0_i32 = arith.constant 0 : i32
    %c0_i32_0 = arith.constant 0 : i32
    %c0_i32_1 = arith.constant 0 : i32
    return %c0_i32, %c0_i32_0 : i32, i32
  }
  func.func @transform_6(%arg0: i32) -> (i32, i32) {
    %c0_i32 = arith.constant 0 : i32
    %c0_i32_0 = arith.constant 0 : i32
    %c0_i32_1 = arith.constant 0 : i32
    return %c0_i32, %c0_i32_0 : i32, i32
  }
  func.func @transform_7(%arg0: i32) -> (i32, i32) {
    %c0_i32 = arith.constant 0 : i32
    %c0_i32_0 = arith.constant 0 : i32
    return %arg0, %c0_i32 : i32, i32
  }
  func.func @transform_8(%arg0: i32) -> (i32, i32, i32) {
    %c0_i32 = arith.constant 0 : i32
    %c0_i32_0 = arith.constant 0 : i32
    %c0_i32_1 = arith.constant 0 : i32
    return %c0_i32, %arg0, %c0_i32_0 : i32, i32, i32
  }
}

module attributes {stable_mosaic.version = 14 : i64} {
  func.func @body(%arg0: i32, %arg1: memref<2x1024x128xf32, #tpu.memory_space<vmem>>, %arg2: memref<1024x400xf32, #tpu.memory_space<vmem>>, %arg3: memref<200x400xf32, #tpu.memory_space<vmem>>, %arg4: memref<1x200xf32, #tpu.memory_space<vmem>>, %arg5: memref<128x200xf32, #tpu.memory_space<vmem>>, %arg6: memref<1024x200xf32, #tpu.memory_space<vmem>>, %arg7: memref<1024x128xf32, #tpu.memory_space<vmem>>) attributes {dimension_semantics = [#tpu.dimension_semantics<arbitrary>], iteration_bounds = array<i64: 10>, scalar_prefetch = 0 : i64, scratch_operands = 0 : i64, tpu.core_type = #tpu.core_type<tc>, window_params = [{transform_indices = @transform_0, window_bounds = array<i64: 2, 1024, 128>}, {transform_indices = @transform_1, window_bounds = array<i64: 1024, 400>}, {pipeline_mode = #tpu.pipeline_mode<synchronous>, transform_indices = @transform_2, window_bounds = array<i64: 200, 400>}, {pipeline_mode = #tpu.pipeline_mode<synchronous>, transform_indices = @transform_3, window_bounds = array<i64: 1, 200>}, {pipeline_mode = #tpu.pipeline_mode<synchronous>, transform_indices = @transform_4, window_bounds = array<i64: 128, 200>}, {transform_indices = @transform_5, window_bounds = array<i64: 1024, 200>}, {transform_indices = @transform_6, window_bounds = array<i64: 1024, 128>}]} {
    %get3A = arith.constant 0 : index
    %get3A_0 = arith.constant 0 : index
    %get3A_1 = arith.constant 0 : index
    %get3A_2 = vector.load %arg1[%get3A, %get3A_0, %get3A_1] : memref<2x1024x128xf32, #tpu.memory_space<vmem>>, vector<2x1024x128xf32>
    %slice3A = vector.extract_strided_slice %get3A_2 {offsets = [0, 0, 0], sizes = [1, 1024, 128], strides = [1, 1, 1]} : vector<2x1024x128xf32> to vector<1x1024x128xf32>
    %squeeze3A = vector.shape_cast %slice3A : vector<1x1024x128xf32> to vector<1024x128xf32>
    %slice3A_3 = vector.extract_strided_slice %get3A_2 {offsets = [1, 0, 0], sizes = [1, 1024, 72], strides = [1, 1, 1]} : vector<2x1024x128xf32> to vector<1x1024x72xf32>
    %squeeze3A_4 = vector.shape_cast %slice3A_3 : vector<1x1024x72xf32> to vector<1024x72xf32>
    %concatenate3A = tpu.concatenate %squeeze3A, %squeeze3A_4 in 1 : vector<1024x128xf32>, vector<1024x72xf32> -> vector<1024x200xf32>
    %get3A_5 = arith.constant 0 : index
    %get3A_6 = arith.constant 0 : index
    %get3A_7 = vector.load %arg4[%get3A_5, %get3A_6] : memref<1x200xf32, #tpu.memory_space<vmem>>, vector<1x200xf32>
    %add3A = vector.broadcast %get3A_7 : vector<1x200xf32> to vector<1024x200xf32>
    %add3A_8 = arith.addf %concatenate3A, %add3A : vector<1024x200xf32>
    %get3A_9 = arith.constant 0 : index
    %get3A_10 = arith.constant 0 : index
    %get3A_11 = vector.load %arg2[%get3A_9, %get3A_10] : memref<1024x400xf32, #tpu.memory_space<vmem>>, vector<1024x400xf32>
    %get3A_12 = arith.constant 0 : index
    %get3A_13 = arith.constant 0 : index
    %get3A_14 = vector.load %arg3[%get3A_12, %get3A_13] : memref<200x400xf32, #tpu.memory_space<vmem>>, vector<200x400xf32>
    %dot_general3A = arith.constant dense<0.000000e+00> : vector<1024x200xf32>
    %dot_general3A_15 = tpu.matmul %get3A_11, %get3A_14, %dot_general3A {dimension_numbers = #tpu.dot_dimension_numbers<[1], [1], [0], [0], [0, 0, 1, 0], [], []>, transpose_lhs_hint = false} : vector<1024x400xf32>, vector<200x400xf32>, vector<1024x200xf32> -> vector<1024x200xf32>
    %add3A_16 = arith.addf %add3A_8, %dot_general3A_15 : vector<1024x200xf32>
    %max3A = arith.constant 0.000000e+00 : f32
    %max3A_17 = vector.broadcast %max3A : f32 to vector<1024x200xf32>
    %max3A_18 = arith.maximumf %add3A_16, %max3A_17 : vector<1024x200xf32>
    %swap3A = arith.constant 0 : index
    %swap3A_19 = arith.constant 0 : index
    %swap3A_20 = vector.load %arg6[%swap3A, %swap3A_19] : memref<1024x200xf32, #tpu.memory_space<vmem>>, vector<1024x200xf32>
    tpu.vector_store %arg6[%swap3A, %swap3A_19], %max3A_18 {strides = array<i32>} : memref<1024x200xf32, #tpu.memory_space<vmem>>, vector<1024x200xf32>,
    %get3A_21 = arith.constant 0 : index
    %get3A_22 = arith.constant 0 : index
    %get3A_23 = vector.load %arg5[%get3A_21, %get3A_22] : memref<128x200xf32, #tpu.memory_space<vmem>>, vector<128x200xf32>
    %dot_general3A_24 = arith.constant dense<0.000000e+00> : vector<1024x128xf32>
    %dot_general3A_25 = tpu.matmul %max3A_18, %get3A_23, %dot_general3A_24 {dimension_numbers = #tpu.dot_dimension_numbers<[1], [1], [0], [0], [0, 0, 1, 0], [], []>, transpose_lhs_hint = false} : vector<1024x200xf32>, vector<128x200xf32>, vector<1024x128xf32> -> vector<1024x128xf32>
    %swap3A_26 = arith.constant 0 : index
    %swap3A_27 = arith.constant 0 : index
    %swap3A_28 = vector.load %arg7[%swap3A_26, %swap3A_27] : memref<1024x128xf32, #tpu.memory_space<vmem>>, vector<1024x128xf32>
    tpu.vector_store %arg7[%swap3A_26, %swap3A_27], %dot_general3A_25 {strides = array<i32>} : memref<1024x128xf32, #tpu.memory_space<vmem>>, vector<1024x128xf32>,
    return
  }
  func.func @transform_0(%arg0: i32) -> (i32, i32, i32) {
    %c0_i32 = arith.constant 0 : i32
    %c0_i32_0 = arith.constant 0 : i32
    %c0_i32_1 = arith.constant 0 : i32
    return %c0_i32, %arg0, %c0_i32_0 : i32, i32, i32
  }
  func.func @transform_1(%arg0: i32) -> (i32, i32) {
    %c0_i32 = arith.constant 0 : i32
    %c0_i32_0 = arith.constant 0 : i32
    return %arg0, %c0_i32 : i32, i32
  }
  func.func @transform_2(%arg0: i32) -> (i32, i32) {
    %c0_i32 = arith.constant 0 : i32
    %c0_i32_0 = arith.constant 0 : i32
    %c0_i32_1 = arith.constant 0 : i32
    return %c0_i32, %c0_i32_0 : i32, i32
  }
  func.func @transform_3(%arg0: i32) -> (i32, i32) {
    %c0_i32 = arith.constant 0 : i32
    %c0_i32_0 = arith.constant 0 : i32
    %c0_i32_1 = arith.constant 0 : i32
    return %c0_i32, %c0_i32_0 : i32, i32
  }
  func.func @transform_4(%arg0: i32) -> (i32, i32) {
    %c0_i32 = arith.constant 0 : i32
    %c0_i32_0 = arith.constant 0 : i32
    %c0_i32_1 = arith.constant 0 : i32
    return %c0_i32, %c0_i32_0 : i32, i32
  }
  func.func @transform_5(%arg0: i32) -> (i32, i32) {
    %c0_i32 = arith.constant 0 : i32
    %c0_i32_0 = arith.constant 0 : i32
    return %arg0, %c0_i32 : i32, i32
  }
  func.func @transform_6(%arg0: i32) -> (i32, i32) {
    %c0_i32 = arith.constant 0 : i32
    %c0_i32_0 = arith.constant 0 : i32
    return %arg0, %c0_i32 : i32, i32
  }
}

module attributes {stable_mosaic.version = 14 : i64} {
  func.func @body(%arg0: i32, %arg1: memref<2x1024x128xf32, #tpu.memory_space<vmem>>, %arg2: memref<1024x200xf32, #tpu.memory_space<vmem>>, %arg3: memref<4x200xf32, #tpu.memory_space<vmem>>, %arg4: memref<1x4xf32, #tpu.memory_space<vmem>>, %arg5: memref<1024x4xf32, #tpu.memory_space<vmem>>) attributes {dimension_semantics = [#tpu.dimension_semantics<arbitrary>], iteration_bounds = array<i64: 10>, scalar_prefetch = 0 : i64, scratch_operands = 0 : i64, tpu.core_type = #tpu.core_type<tc>, window_params = [{transform_indices = @transform_0, window_bounds = array<i64: 2, 1024, 128>}, {transform_indices = @transform_1, window_bounds = array<i64: 1024, 200>}, {pipeline_mode = #tpu.pipeline_mode<synchronous>, transform_indices = @transform_2, window_bounds = array<i64: 4, 200>}, {pipeline_mode = #tpu.pipeline_mode<synchronous>, transform_indices = @transform_3, window_bounds = array<i64: 1, 4>}, {transform_indices = @transform_4, window_bounds = array<i64: 1024, 4>}]} {
    %get3A = arith.constant 0 : index
    %get3A_0 = arith.constant 0 : index
    %get3A_1 = arith.constant 0 : index
    %get3A_2 = vector.load %arg1[%get3A, %get3A_0, %get3A_1] : memref<2x1024x128xf32, #tpu.memory_space<vmem>>, vector<2x1024x128xf32>
    %slice3A = vector.extract_strided_slice %get3A_2 {offsets = [0, 0, 0], sizes = [1, 1024, 4], strides = [1, 1, 1]} : vector<2x1024x128xf32> to vector<1x1024x4xf32>
    %squeeze3A = vector.shape_cast %slice3A : vector<1x1024x4xf32> to vector<1024x4xf32>
    %slice3A_3 = vector.extract_strided_slice %get3A_2 {offsets = [1, 0, 0], sizes = [1, 1024, 4], strides = [1, 1, 1]} : vector<2x1024x128xf32> to vector<1x1024x4xf32>
    %squeeze3A_4 = vector.shape_cast %slice3A_3 : vector<1x1024x4xf32> to vector<1024x4xf32>
    %add3A = arith.addf %squeeze3A, %squeeze3A_4 : vector<1024x4xf32>
    %get3A_5 = arith.constant 0 : index
    %get3A_6 = arith.constant 0 : index
    %get3A_7 = vector.load %arg4[%get3A_5, %get3A_6] : memref<1x4xf32, #tpu.memory_space<vmem>>, vector<1x4xf32>
    %add3A_8 = vector.broadcast %get3A_7 : vector<1x4xf32> to vector<1024x4xf32>
    %add3A_9 = arith.addf %add3A, %add3A_8 : vector<1024x4xf32>
    %get3A_10 = arith.constant 0 : index
    %get3A_11 = arith.constant 0 : index
    %get3A_12 = vector.load %arg2[%get3A_10, %get3A_11] : memref<1024x200xf32, #tpu.memory_space<vmem>>, vector<1024x200xf32>
    %get3A_13 = arith.constant 0 : index
    %get3A_14 = arith.constant 0 : index
    %get3A_15 = vector.load %arg3[%get3A_13, %get3A_14] : memref<4x200xf32, #tpu.memory_space<vmem>>, vector<4x200xf32>
    %dot_general3A = arith.constant dense<0.000000e+00> : vector<1024x4xf32>
    %dot_general3A_16 = tpu.matmul %get3A_12, %get3A_15, %dot_general3A {dimension_numbers = #tpu.dot_dimension_numbers<[1], [1], [0], [0], [0, 0, 1, 0], [], []>, transpose_lhs_hint = false} : vector<1024x200xf32>, vector<4x200xf32>, vector<1024x4xf32> -> vector<1024x4xf32>
    %add3A_17 = arith.addf %add3A_9, %dot_general3A_16 : vector<1024x4xf32>
    %max3A = arith.constant 0.000000e+00 : f32
    %max3A_18 = vector.broadcast %max3A : f32 to vector<1024x4xf32>
    %max3A_19 = arith.maximumf %add3A_17, %max3A_18 : vector<1024x4xf32>
    %swap3A = arith.constant 0 : index
    %swap3A_20 = arith.constant 0 : index
    %swap3A_21 = vector.load %arg5[%swap3A, %swap3A_20] : memref<1024x4xf32, #tpu.memory_space<vmem>>, vector<1024x4xf32>
    tpu.vector_store %arg5[%swap3A, %swap3A_20], %max3A_19 {strides = array<i32>} : memref<1024x4xf32, #tpu.memory_space<vmem>>, vector<1024x4xf32>,
    return
  }
  func.func @transform_0(%arg0: i32) -> (i32, i32, i32) {
    %c0_i32 = arith.constant 0 : i32
    %c0_i32_0 = arith.constant 0 : i32
    %c0_i32_1 = arith.constant 0 : i32
    return %c0_i32, %arg0, %c0_i32_0 : i32, i32, i32
  }
  func.func @transform_1(%arg0: i32) -> (i32, i32) {
    %c0_i32 = arith.constant 0 : i32
    %c0_i32_0 = arith.constant 0 : i32
    return %arg0, %c0_i32 : i32, i32
  }
  func.func @transform_2(%arg0: i32) -> (i32, i32) {
    %c0_i32 = arith.constant 0 : i32
    %c0_i32_0 = arith.constant 0 : i32
    %c0_i32_1 = arith.constant 0 : i32
    return %c0_i32, %c0_i32_0 : i32, i32
  }
  func.func @transform_3(%arg0: i32) -> (i32, i32) {
    %c0_i32 = arith.constant 0 : i32
    %c0_i32_0 = arith.constant 0 : i32
    %c0_i32_1 = arith.constant 0 : i32
    return %c0_i32, %c0_i32_0 : i32, i32
  }
  func.func @transform_4(%arg0: i32) -> (i32, i32) {
    %c0_i32 = arith.constant 0 : i32
    %c0_i32_0 = arith.constant 0 : i32
    return %arg0, %c0_i32 : i32, i32
  }
}

</mosaic_0001>

<sc_bundles>
// kernel: kernel.11.cloned.1.call-start
scs
__scs_entry_jumppad:
0x0: {  	(pc) =	sbr.rel $0x88, $3  }
0x1: {  	(tag) =	ssettag $0x0;
	lr =	simm.s32 $0x1  }
0x2: {  	[smem:$0x3F96] =	sst lr;
	_ =	strace $0xD0000000  }
0x3: {  	_ = 	snop  }
0x4: {  	_ = 	snop  }
0x5: {  	_ = 	snop  }
0x6: {  	_ = 	snop  }
0x7: {  	_ = 	snop  }
__scs_overlays_trampoline_lowered:
0x8: {  	[smem:$0x3FA5] =	sst s0  }
0x9: {  	[smem:$0x3FA6] =	sst s1  }
0xa: {  	[smem:$0x3FA7] =	sst s2  }
0xb: {  	[smem:$0x3FA8] =	sst s3  }
0xc: {  	[smem:$0x3FA9] =	sst s4  }
0xd: {  	[smem:$0x3FAA] =	sst s5  }
0xe: {  	[smem:$0x3FAB] =	sst s6  }
0xf: {  	[smem:$0x3FAC] =	sst s7  }
0x10: {  	[smem:$0x3FAD] =	sst s8  }
0x11: {  	[smem:$0x3FAE] =	sst s9;
	s0 =	simm.s32 @!p0 $0x0  }
0x12: {  	s1 =	sld [smem:$0x3F94];
	s0 =	simm.s32 @p0 $0x1  }
0x13: {  	[smem:$0x3FAF] =	sst s0;
	s0 =	simm.s32 @!p1 $0x0  }
0x14: {  	s2 =	sld [smem:$0x3F93];
	s0 =	simm.s32 @p1 $0x1  }
0x15: {  	[smem:$0x3FB0] =	sst s0;
	s0 =	simm.s32 @!p2 $0x0  }
0x16: {  	s3 =	sld [smem:$0x3FDB];
	s0 =	simm.s32 @p2 $0x1  }
0x17: {  	s4 =	simm.s32 $0x1BF5;
	[smem:$0x3FB2] =	sst s0  }
0x18: {  	s0 =	sld [smem:$0x3F95];
	_ =	swait.ge [sflag:s4], $0x0  }
0x19: {  	s7 =	sld [smem:$0x3F96]  }
0x1a: {  	s8 =	sadd.s32 $0xFFFFE003, lr  }
0x1b: {  	s9 =	sadd.s32 $0xFFFFFEF7, lr;
	s5 =	simm.s32 $0xFFFFFFFF;
	p2 =	slt.u32 s8, $0xFFFFF086  }
0x1c: {  	p1 =	slt.u32 s9, $0xF7A;
	s5 =	simm.s32 @!p2 $0x0  }
0x1d: {  	s5 =	simm.s32 @p1 $0x1;
	p0 =	seq.s32 s7, s2  }
0x1e: {  	s7 =	smul.u32 @!p0 $0xF7A, s2;
	p2 =	seq.s32 @!p0 s5, $0x0  }
0x1f: {  	s9 =	smul.u32 $0xF7A, s1;
	s8 =	simm.s32 @!p0 $0x1BF5;
	p2 =	por !p2, p0  }
0x20: {  	[sflag:s8] =	ssyncset.s32 @!p0 $0xFFFFF086;
	s6 =	sadd.s32 @!p0 s3, s7;
	s7 =	simm.s32 @!p0 $0x108  }
0x21: {  	s3 =	sadd.s32 s3, s9;
	s6 =	sadd.s32 @!p0 $0x88, s6;
	s7 =	simm.s32 @p2 $0x1082  }
0x22: {  	[simem:s7], [sflag:s8] =	dma.local @!p0 [hbm:s6], $0xF7A  }
0x23: {  	s9 =	sor.u32 $0xD0000000, s2;
	s6 =	simm.s32 $0x108;
	_ =	swait.ge @!p0 [sflag:s8], $0x0  }
0x24: {  	s3 =	sadd.s32 $0x88, s3;
	s6 =	simm.s32 @!p1 $0x1082;
	[sflag:s4] =	ssyncset.s32 $0xFFFFF086  }
0x25: {  	[simem:s6], [sflag:s4] =	dma.local [hbm:s3], $0xF7A  }
0x26: {  	[smem:$0x3F96] =	sst s1;
	(tag) =	ssettag s2;
	_ =	strace s9  }
0x27: {  	s1 =	sld [smem:$0x3FA6]  }
0x28: {  	s2 =	sld [smem:$0x3FA7]  }
0x29: {  	s4 =	sld [smem:$0x3FA9]  }
0x2a: {  	p0 =	seq.s32 s5, $0x0;
	s5 =	sld [smem:$0x3FAA]  }
0x2b: {  	s6 =	sld [smem:$0x3FAB]  }
0x2c: {  	s7 =	sld [smem:$0x3FAC]  }
0x2d: {  	s3 =	simm.s32 $0x108;
	s8 =	sld [smem:$0x3FAD]  }
0x2e: {  	s3 =	simm.s32 @!p0 $0x1082;
	s9 =	sld [smem:$0x3FAE]  }
0x2f: {  	lr =	sadd.s32 s0, s3;
	s0 =	sld [smem:$0x3FA5]  }
0x30: {  	s3 =	sld [smem:$0x3FA8]  }
0x31: {  	[smem:$0x3FB1] =	sst s10  }
0x32: {  	s10 =	sld [smem:$0x3FAF];
	_ =	sdelay $0x3  }
0x33: {  	p0 =	seq.s32 s10, $0x1;
	s10 =	sld [smem:$0x3FB1];
	_ =	sdelay $0x3  }
0x34: {  	[smem:$0x3FB1] =	sst s10  }
0x35: {  	s10 =	sld [smem:$0x3FB0];
	_ =	sdelay $0x3  }
0x36: {  	p1 =	seq.s32 s10, $0x1;
	s10 =	sld [smem:$0x3FB1];
	_ =	sdelay $0x3  }
0x37: {  	[smem:$0x3FB1] =	sst s10  }
0x38: {  	s10 =	sld [smem:$0x3FB2]  }
0x39: {  	_ = 	snop;
	(pc) =	sbr.ind lr, $3  }
0x3a: {  	_ = 	snop  }
0x3b: {  	_ = 	snop  }
0x3c: {  	p2 =	seq.s32 s10, $0x1;
	s10 =	sld [smem:$0x3FB1]  }
0x3d: {  	_ =	shalt  }
0x3e: {  	_ =	shalt  }
0x3f: {  	_ =	shalt  }
0x40: {  	_ =	shalt  }
0x41: {  	_ =	shalt  }
0x42: {  	_ =	shalt  }
0x43: {  	_ =	shalt  }
0x44: {  	_ =	shalt  }
0x45: {  	_ =	shalt  }
0x46: {  	_ =	shalt  }
0x47: {  	_ =	shalt  }
0x48: {  	_ =	shalt  }
0x49: {  	_ =	shalt  }
0x4a: {  	_ =	shalt  }
0x4b: {  	_ =	shalt  }
0x4c: {  	_ =	shalt  }
0x4d: {  	_ =	shalt  }
0x4e: {  	_ =	shalt  }
0x4f: {  	_ =	shalt  }
0x50: {  	_ =	shalt  }
0x51: {  	_ =	shalt  }
0x52: {  	_ =	shalt  }
0x53: {  	_ =	shalt  }
0x54: {  	_ =	shalt  }
0x55: {  	_ =	shalt  }
0x56: {  	_ =	shalt  }
0x57: {  	_ =	shalt  }
0x58: {  	_ =	shalt  }
0x59: {  	_ =	shalt  }
0x5a: {  	_ =	shalt  }
0x5b: {  	_ =	shalt  }
0x5c: {  	_ =	shalt  }
0x5d: {  	_ =	shalt  }
0x5e: {  	_ =	shalt  }
0x5f: {  	_ =	shalt  }
0x60: {  	_ =	shalt  }
0x61: {  	_ =	shalt  }
0x62: {  	_ =	shalt  }
0x63: {  	_ =	shalt  }
0x64: {  	_ =	shalt  }
0x65: {  	_ =	shalt  }
0x66: {  	_ =	shalt  }
0x67: {  	_ =	shalt  }
0x68: {  	_ =	shalt  }
0x69: {  	_ =	shalt  }
0x6a: {  	_ =	shalt  }
0x6b: {  	_ =	shalt  }
0x6c: {  	_ =	shalt  }
0x6d: {  	_ =	shalt  }
0x6e: {  	_ =	shalt  }
0x6f: {  	_ =	shalt  }
0x70: {  	_ =	shalt  }
0x71: {  	_ =	shalt  }
0x72: {  	_ =	shalt  }
0x73: {  	_ =	shalt  }
0x74: {  	_ =	shalt  }
0x75: {  	_ =	shalt  }
0x76: {  	_ =	shalt  }
0x77: {  	_ =	shalt  }
0x78: {  	_ =	shalt  }
0x79: {  	_ =	shalt  }
0x7a: {  	_ =	shalt  }
0x7b: {  	_ =	shalt  }
0x7c: {  	_ =	shalt  }
0x7d: {  	_ =	shalt  }
0x7e: {  	_ =	shalt  }
0x7f: {  	_ =	shalt  }
0x80: {  	_ =	shalt  }
0x81: {  	_ =	shalt  }
0x82: {  	_ =	shalt  }
0x83: {  	_ =	shalt  }
0x84: {  	_ =	shalt  }
0x85: {  	_ =	shalt  }
0x86: {  	_ =	shalt  }
0x87: {  	_ =	shalt  }
.Lfunc_end0:
.L_simem_size_0:
called_computation.1_lowered:
.L_overlay_start_0:
0x88: {  	s2 =	sld [smem:$0x3FD9]  }
0x89: {  	s3 =	sld [smem:$0x3FFE];
	_ =	sdelay $0x1  }
0x8a: {  	s1 =	srdreg.scid  }
0x8b: {  	s0 =	sand.u32 $0x1, s1  }
0x8c: {  	s16 =	sshll.u32 s0, $0xA;
	s2 =	sadd.s32 s3, s2  }
0x8d: {  	s2 =	sadd.s32 s2, s16  }
0x8e: {  	[smem:$0x3FBD] =	sst s2  }
0x8f: {  	_ = 	snop  }
0x90: {  	(tm) =	ssettm $0x1  }
0x91: {  	s17 =	sld [smem:$0x3FFB];
	_ =	sdelay $0x3  }
0x92: {  	_ =	strace s17  }
0x93: {  	s2 =	sld [smem:$0x3FFC];
	_ =	sdelay $0x3  }
0x94: {  	_ =	strace s2  }
0x95: {  	s2 =	sld [smem:$0x3FFD];
	_ =	sdelay $0x3  }
0x96: {  	_ =	strace s2  }
0x97: {  	_ =	strace $0x8FFFFFFF  }
0x98: {  	s18 =	sld [smem:$0x3FDB];
	_ =	sdelay $0x1  }
0x99: {  	s19 =	simm.s32 $_scs_section_size  }
0x9a: {  	s4 =	simm.s32 $_size__tile_overlayer_lowered;
	s5 =	simm.s32 $_tile_overlayer_lowered  }
0x9b: {  	s22 =	simm.s32 $0x1BFF;
	s21 =	sshll.u32 s5, $0x1;
	s2 =	sadd.s32 s19, s18  }
0x9c: {  	s6 =	simm.s32 $0x0;
	s20 =	sshll.u32 s4, $0x1;
	s4 =	sadd.s32 s21, s2  }
0x9d: {  	[timem:s6], [sflag:s22] =	dma.local [hbm:s4], s20  }
0x9e: {  	_ =	swait.ge [sflag:s22], s20  }
0x9f: {  	s3 =	ssub.s32 $0x0, s20;
	[sflag:s22] =	ssyncset.done $0x0  }
0xa0: {  	[sflag:s22] =	ssyncadd.s32 s3;
	_ =	sdelay $0x1  }
0xa1: {  	s23 =	simm.s32 $0x1B8B  }
0xa2: {  	_ =	swait.ge [sflag:s23], $0x1  }
0xa3: {  	[sflag:s23] =	ssyncset.done $0x0  }
0xa4: {  	s25 =	simm.s32 $0x1B8E;
	s24 =	sld [smem:$0x3FFE];
	[sflag:s23] =	ssyncadd.s32 $0xFFFFFFFF  }
0xa5: {  	s26 =	simm.s32 $execute0_lowered;
	[smem:$0x3FD2] =	sst s25  }
0xa6: {  	s4 =	sshll.u32 s26, $0x1;
	_ =	strace $0x80000049;
	[dreg:$0x1] =	wrdreg $0xFFFFFFFF  }
0xa7: {  	s28 =	simm.s32 $_size_execute0_lowered;
	s2 =	sadd.s32 s2, s4;
	[dreg:$0x0] =	wrdreg $0x0  }
0xa8: {  	s4 =	sshll.u32 s28, $0x1;
	[dreg:$0x2] =	wrdreg s2  }
0xa9: {  	[dreg:$0x3] =	wrdreg s4  }
0xaa: {  	[dreg:$0x4] =	wrdreg $0xC0  }
0xab: {  	_ =	task [dreg:s6], $0x5FFFF  }
0xac: {  	[dreg:$0x1] =	wrdreg $0xFFFFFFFF  }
0xad: {  	[dreg:$0x0] =	wrdreg $0x60  }
0xae: {  	[dreg:$0x2] =	wrdreg s24  }
0xaf: {  	[dreg:$0x3] =	wrdreg $0x0  }
0xb0: {  	[dreg:$0x4] =	wrdreg $0x9  }
0xb1: {  	_ =	task.clear_ibuf [dreg:s6], $0x5FFFF;
	_ =	strace $0x90000049  }
0xb2: {  	s29 =	simm.s32 $0x9;
	_ =	strace $0x8000004B  }
0xb3: {  	_ =	swait.ge [sflag:s29], $0x1  }
0xb4: {  	[sflag:s29] =	ssyncadd.s32 $0xFFFFFFFF  }
0xb5: {  	_ =	strace $0x9000004B  }
0xb6: {  	_ =	sfence  }
0xb7: {  	s30 =	sld [smem:$0x0];
	_ =	sdelay $0x2  }
0xb8: {  	s31 =	sshll.u32 s1, $0xD;
	s1 =	sshrl.u32 s1, $0x2  }
0xb9: {  	s3 =	sand.u32 $0x4000, s31;
	s1 =	sadd.s32 s1, s30  }
0xba: {  	s0 =	sor.u32 s3, s0;
	s1 =	sshll.u32 s1, $0x11  }
0xbb: {  	s0 =	sor.u32 s1, s0  }
0xbc: {  	s0 =	sadd.s32 $0x8F2B, s0  }
0xbd: {  	[sflag:s0] =	ssyncadd.remote.s32 $0x1  }
0xbe: {  	_ =	sfence.sel $0xFFFF  }
0xbf: {  	[dreg:$0x0] =	wrdreg $0xFFFFFFFF;
	(pc) =	sbr.abs _section_cstart, $3  }
0xc0: {  	[dreg:$0x1] =	wrdreg $0xFFFFFFFF  }
0xc1: {  	_ =	task.clear_ibuf [dreg:s6], $0x2FFFF;
	_ =	strace $0x9FFFFFFF  }
0xc2: {  	(tm) =	ssettm $0x7FFFFFFF  }
0xc3: {  	_ =	shalt  }
tec
execute0_lowered:
.L_overlay_start_1:
0x0: {  	(tag) =	ssettag $0x1  }
0x1: {  	s7 =	rddreg [dreg:$0x0]  }
0x2: {  	s2 =	rddreg [dreg:$0x1]  }
0x3: {  	s0 =	rddreg [dreg:$0x2];
	s3 =	simm.s32 $0x0;
	s1 =	stileid.u32  }
0x4: {  	s4 =	srdreg.scid;
	s17 =	simm.s32 $0x80;
	s18 =	simm.s32 $0x13D00  }
0x5: {  	s19 =	simm.s32 $0x1;
	s20 =	simm.s32 $0x0;
	[smem:$0x7FF] =	sst s3  }
0x6: {  	s8 =	smul.u32 $0x13C00, s1;
	s9 =	sand.u32 $0x1, s4;
	s4 =	sadd.s32 $0x3E200, s7  }
0x7: {  	s5 =	sadd.s32 $0x97200, s7;
	s6 =	sadd.s32 $0x8D200, s7;
	s12 =	smul.u32 $0x4F000, s1  }
0x8: {  	s31 =	sshll.u32 s1, $0x6;
	_ =	strace $0x8000004A;
	s10 =	smul.u32 $0x13C000, s9  }
0x9: {  	s28 =	ssub.s32 $0x2, s9;
	s14 =	smul.u32 $0x50000, s9;
	s9 =	sor.u32 $0x1C02, s31  }
0xa: {  	s11 =	sshrl.u32 s8, $0x3;
	s29 =	sshrl.u32 s28, $0x1;
	s30 =	sshrl.u32 s12, $0x2  }
0xb: {  	s11 =	sadd.s32 s11, s7;
	s8 =	sadd.s32 s8, s10;
	s15 =	ssub.s32 s28, s29  }
0xc: {  	s16 =	sadd.s32 s30, s2;
	s8 =	sshrl.u32 s8, $0x3;
	s12 =	smax.u32 s15, $0x1  }
0xd: {  	s15 =	simm.s32 $0x13C00;
	s13 =	sadd.s32 s8, s7;
	s7 =	smul.u32 $0x5000, s1  }
0xe: {  	s8 =	sadd.s32 $0x16A00, s11;
	s11 =	sadd.s32 $0x147600, s13;
	s13 =	sshrl.u32 s16, $0x3  }
0xf: {  	s16 =	simm.s32 $0x13C80;
	s10 =	sadd.s32 s14, s7;
	s14 =	simm.s32 $0x2  }
.LBB2_1:
0x10: {  	[spmem:s13], [sflag:s9] =	dma.local [hbm:s8], $0x2780  }
0x11: {  	s21 =	sand.u32 $0x7C00, s3  }
0x12: {  	s22 =	sand.u32 $0x380, s3;
	_ =	swait.ge [sflag:s14], $0x2780;
	s23 =	sadd.s32 s10, s21  }
0x13: {  	[sflag:s14] =	ssyncset.done $0x0;
	s23 =	sor.u32 s22, s23  }
0x14: {  	[sflag:s14] =	ssyncadd.s32 $0xFFFFD880;
	s23 =	sshrl.u32 s23, $0x3  }
0x15: {  	s21 =	sadd.s32 s7, s21;
	[bflag:$0x0] =	sbarrier.arrive $0xFFFF;
	s23 =	sadd.s32 s5, s23  }
0x16: {  	[tilespmem:s15], [sflag:$0x2] =	stream.linear.gather [hbm4b:s23+s3], $0x80, $0x38;
	[tilespmem:$0x17D00] =	vst v63  }
0x17: {  	s21 =	sor.u32 s22, s21;
	_ =	swait.ge [sflag:s14], $0x80  }
0x18: {  	s21 =	sshrl.u32 s21, $0x3;
	[sflag:s14] =	ssyncset.done $0x0  }
0x19: {  	s21 =	sadd.s32 s6, s21;
	[sflag:s14] =	ssyncadd.s32 $0xFFFFFF80  }
0x1a: {  	[tilespmem:s16], [sflag:$0x2] =	stream.linear.gather [hbm4b:s21+s3], $0x80, $0x38;
	[tilespmem:$0x17D00] =	vst v63  }
0x1b: {  	_ =	swait.ge [sflag:s14], $0x80  }
0x1c: {  	s29 =	simm.s32 $0x80;
	[sflag:s14] =	ssyncset.done $0x0  }
0x1d: {  	s30 =	sand.u32 $0x7C00, s29;
	[sflag:s14] =	ssyncadd.s32 $0xFFFFFF80  }
0x1e: {  	[tilespmem:s18], [sflag:$0x1] =	stream.indirect.gather [hbm4b:s4+s17], $0x80, s15, s17, $0xb8;
	[tilespmem:$0x17D00] =	vst v63  }
0x1f: {  	s31 =	sadd.s32 s10, s30;
	s24 =	sadd.s32 s7, s30;
	_ =	swait.ge [sflag:s19], $0x4000  }
0x20: {  	s22 =	simm.s32 $0x100;
	s21 =	sand.u32 $0x380, s29;
	[sflag:s19] =	ssyncset.done $0x0  }
0x21: {  	s23 =	sor.u32 s21, s31;
	s21 =	sor.u32 s21, s24;
	[sflag:s19] =	ssyncadd.s32 $0xFFFFC000  }
0x22: {  	[spmem:s2] =	stream.indirect.scatter.add.f32 [tilespmem:s18], [sflag:$0x2], $0x80, s16, s17, $0xb8;
	[tilespmem:$0x17D00] =	vst v63  }
.LBB2_2:
0x23: {  	s23 =	sshrl.u32 s23, $0x3  }
0x24: {  	s21 =	sshrl.u32 s21, $0x3;
	_ =	swait.ge [sflag:s14], $0x4000;
	s24 =	smov.u32 s22  }
0x25: {  	s25 =	sadd.s32 $0x80, s22;
	s23 =	sadd.s32 s5, s23;
	[sflag:s14] =	ssyncset.done $0x0  }
0x26: {  	p0 =	sne.s32 s22, $0x4E00;
	[sflag:s14] =	ssyncadd.s32 $0xFFFFC000  }
0x27: {  	[tilespmem:s15], [sflag:$0x2] =	stream.linear.gather [hbm4b:s23+s3], $0x80, $0x38;
	[tilespmem:$0x17D00] =	vst v63  }
0x28: {  	_ =	swait.ge [sflag:s14], $0x80  }
0x29: {  	[sflag:s14] =	ssyncset.done $0x0  }
0x2a: {  	s21 =	sadd.s32 s6, s21;
	[sflag:s14] =	ssyncadd.s32 $0xFFFFFF80  }
0x2b: {  	[tilespmem:s16], [sflag:$0x2] =	stream.linear.gather [hbm4b:s21+s3], $0x80, $0x38;
	[tilespmem:$0x17D00] =	vst v63  }
0x2c: {  	_ =	swait.ge [sflag:s14], $0x80  }
0x2d: {  	[sflag:s14] =	ssyncset.done $0x0  }
0x2e: {  	[sflag:s14] =	ssyncadd.s32 $0xFFFFFF80  }
0x2f: {  	[tilespmem:s18], [sflag:$0x1] =	stream.indirect.gather [hbm4b:s4+s17], $0x80, s15, s17, $0xb8;
	[tilespmem:$0x17D00] =	vst v63  }
.Ltmp0:
0x30: {  	_ =	swait.ge [sflag:s19], $0x4000;
	(pc) =	sbr.rel @p0 .LBB2_2-.Ltmp0, $4  }
0x31: {  	s22 =	sand.u32 $0x380, s24;
	s21 =	sand.u32 $0x7C00, s24;
	[sflag:s19] =	ssyncset.done $0x0  }
0x32: {  	s23 =	sadd.s32 s10, s21;
	s21 =	sadd.s32 s7, s21;
	[sflag:s19] =	ssyncadd.s32 $0xFFFFC000  }
0x33: {  	s23 =	sor.u32 s22, s23;
	s21 =	sor.u32 s22, s21;
	s22 =	smov.u32 s25  }
0x34: {  	[spmem:s2] =	stream.indirect.scatter.add.f32 [tilespmem:s18], [sflag:$0x2], $0x80, s16, s17, $0xb8;
	[tilespmem:$0x17D00] =	vst v63  }
0x35: {  	_ =	swait.ge [sflag:s14], $0x4000  }
0x36: {  	s22 =	sshrl.u32 s23, $0x3;
	[sflag:s14] =	ssyncset.done $0x0  }
0x37: {  	s22 =	sadd.s32 s5, s22;
	[sflag:s14] =	ssyncadd.s32 $0xFFFFC000  }
0x38: {  	[tilespmem:s15], [sflag:$0x2] =	stream.linear.gather [hbm4b:s22+s3], $0x80, $0x38;
	[tilespmem:$0x17D00] =	vst v63  }
0x39: {  	_ =	swait.ge [sflag:s14], $0x80  }
0x3a: {  	s21 =	sshrl.u32 s21, $0x3;
	[sflag:s14] =	ssyncset.done $0x0  }
0x3b: {  	s21 =	sadd.s32 s6, s21;
	[sflag:s14] =	ssyncadd.s32 $0xFFFFFF80  }
0x3c: {  	[tilespmem:s16], [sflag:$0x2] =	stream.linear.gather [hbm4b:s21+s3], $0x80, $0x38;
	[tilespmem:$0x17D00] =	vst v63  }
0x3d: {  	_ =	swait.ge [sflag:s14], $0x80  }
0x3e: {  	[sflag:s14] =	ssyncset.done $0x0  }
0x3f: {  	[sflag:s14] =	ssyncadd.s32 $0xFFFFFF80  }
0x40: {  	[tilespmem:s18], [sflag:$0x1] =	stream.indirect.gather [hbm4b:s4+s17], $0x80, s15, s17, $0xb8;
	[tilespmem:$0x17D00] =	vst v63  }
0x41: {  	_ =	swait.ge [sflag:s19], $0x4000  }
0x42: {  	[sflag:s19] =	ssyncset.done $0x0  }
0x43: {  	[sflag:s19] =	ssyncadd.s32 $0xFFFFC000  }
0x44: {  	[spmem:s2] =	stream.indirect.scatter.add.f32 [tilespmem:s18], [sflag:$0x2], $0x80, s16, s17, $0xb8;
	[tilespmem:$0x17D00] =	vst v63  }
0x45: {  	_ =	swait.ge [sflag:s14], $0x4000  }
0x46: {  	s20 =	sadd.s32 $0x1, s20;
	[sflag:s14] =	ssyncset.done $0x0  }
0x47: {  	p0 =	sne.s32 s20, s12;
	[sflag:s14] =	ssyncadd.s32 $0xFFFFC000  }
.Ltmp1:
0x48: {  	[bflag:$0x0] =	sbarrier.arrive $0xFFFF;
	(pc) =	sbr.rel @p0 .LBB2_1-.Ltmp1, $4  }
0x49: {  	[hbm:s11], [sflag:s9] =	dma.local [spmem:s13], $0x2780  }
0x4a: {  	_ =	swait.ge [sflag:s14], $0x2780  }
0x4b: {  	[sflag:s14] =	ssyncset.done $0x0  }
0x4c: {  	[sflag:s14] =	ssyncadd.s32 $0xFFFFD880  }
0x4d: {  	_ =	sfence.sel $0x180000  }
0x4e: {  	[bflag:$0x0] =	sbarrier.arrive $0xFFFF  }
0x4f: {  	p0 =	sne.s32 s1, $0x0;
	_ =	strace $0x9000004A  }
0x50: {  	s0 =	sadd.s32 @!p0 $0x100000, s0;
	[bflag:$0x2] =	sbarrier.arrive $0xFFFF  }
0x51: {  	[sflag:s0] =	ssyncadd.tile.s32 @!p0 $0x1;
	_ =	shalt  }
.Lfunc_end2:
_tile_overlayer_lowered:
.L_overlay_start_2:
0x52: {  	(tag) =	ssettag $0x2  }
0x53: {  	s0 =	rddreg [dreg:$0x0];
	s2 =	stileid.u32  }
0x54: {  	s1 =	rddreg [dreg:$0x1];
	p0 =	sne.s32 s2, $0x0  }
0x55: {  	s3 =	rddreg [dreg:$0x2];
	[bflag:$0x3] =	sbarrier.arrive $0xFFFF;
	s2 =	simm.s32 @!p0 $0x1C02  }
0x56: {  	[timem:s3], [sflag:s2] =	dma.local @!p0 [hbm:s0], s1  }
0x57: {  	s0 =	simm.s32 @!p0 $0x2  }
0x58: {  	_ =	swait.ge @!p0 [sflag:s0], s1  }
0x59: {  	s1 =	ssub.s32 @!p0 $0x0, s1;
	[sflag:s0] =	ssyncset.done @!p0 $0x0  }
0x5a: {  	[sflag:s0] =	ssyncadd.s32 @!p0 s1  }
0x5b: {  	[bflag:$0x3] =	sbarrier.arrive $0xFFFF  }
0x5c: {  	_ =	shalt  }

// kernel: kernel.14.cloned.1.call-start
scs
__scs_entry_jumppad:
0x0: {  	(pc) =	sbr.rel $0x88, $3  }
0x1: {  	(tag) =	ssettag $0x0;
	lr =	simm.s32 $0x1  }
0x2: {  	[smem:$0x3F96] =	sst lr;
	_ =	strace $0xD0000000  }
0x3: {  	_ = 	snop  }
0x4: {  	_ = 	snop  }
0x5: {  	_ = 	snop  }
0x6: {  	_ = 	snop  }
0x7: {  	_ = 	snop  }
__scs_overlays_trampoline_lowered:
0x8: {  	[smem:$0x3FA5] =	sst s0  }
0x9: {  	[smem:$0x3FA6] =	sst s1  }
0xa: {  	[smem:$0x3FA7] =	sst s2  }
0xb: {  	[smem:$0x3FA8] =	sst s3  }
0xc: {  	[smem:$0x3FA9] =	sst s4  }
0xd: {  	[smem:$0x3FAA] =	sst s5  }
0xe: {  	[smem:$0x3FAB] =	sst s6  }
0xf: {  	[smem:$0x3FAC] =	sst s7  }
0x10: {  	[smem:$0x3FAD] =	sst s8  }
0x11: {  	[smem:$0x3FAE] =	sst s9;
	s0 =	simm.s32 @!p0 $0x0  }
0x12: {  	s1 =	sld [smem:$0x3F94];
	s0 =	simm.s32 @p0 $0x1  }
0x13: {  	[smem:$0x3FAF] =	sst s0;
	s0 =	simm.s32 @!p1 $0x0  }
0x14: {  	s2 =	sld [smem:$0x3F93];
	s0 =	simm.s32 @p1 $0x1  }
0x15: {  	[smem:$0x3FB0] =	sst s0;
	s0 =	simm.s32 @!p2 $0x0  }
0x16: {  	s3 =	sld [smem:$0x3FDB];
	s0 =	simm.s32 @p2 $0x1  }
0x17: {  	s4 =	simm.s32 $0x1BF5;
	[smem:$0x3FB2] =	sst s0  }
0x18: {  	s0 =	sld [smem:$0x3F95];
	_ =	swait.ge [sflag:s4], $0x0  }
0x19: {  	s7 =	sld [smem:$0x3F96]  }
0x1a: {  	s8 =	sadd.s32 $0xFFFFE003, lr  }
0x1b: {  	s9 =	sadd.s32 $0xFFFFFEF7, lr;
	s5 =	simm.s32 $0xFFFFFFFF;
	p2 =	slt.u32 s8, $0xFFFFF086  }
0x1c: {  	p1 =	slt.u32 s9, $0xF7A;
	s5 =	simm.s32 @!p2 $0x0  }
0x1d: {  	s5 =	simm.s32 @p1 $0x1;
	p0 =	seq.s32 s7, s2  }
0x1e: {  	s7 =	smul.u32 @!p0 $0xF7A, s2;
	p2 =	seq.s32 @!p0 s5, $0x0  }
0x1f: {  	s9 =	smul.u32 $0xF7A, s1;
	s8 =	simm.s32 @!p0 $0x1BF5;
	p2 =	por !p2, p0  }
0x20: {  	[sflag:s8] =	ssyncset.s32 @!p0 $0xFFFFF086;
	s6 =	sadd.s32 @!p0 s3, s7;
	s7 =	simm.s32 @!p0 $0x108  }
0x21: {  	s3 =	sadd.s32 s3, s9;
	s6 =	sadd.s32 @!p0 $0x88, s6;
	s7 =	simm.s32 @p2 $0x1082  }
0x22: {  	[simem:s7], [sflag:s8] =	dma.local @!p0 [hbm:s6], $0xF7A  }
0x23: {  	s9 =	sor.u32 $0xD0000000, s2;
	s6 =	simm.s32 $0x108;
	_ =	swait.ge @!p0 [sflag:s8], $0x0  }
0x24: {  	s3 =	sadd.s32 $0x88, s3;
	s6 =	simm.s32 @!p1 $0x1082;
	[sflag:s4] =	ssyncset.s32 $0xFFFFF086  }
0x25: {  	[simem:s6], [sflag:s4] =	dma.local [hbm:s3], $0xF7A  }
0x26: {  	[smem:$0x3F96] =	sst s1;
	(tag) =	ssettag s2;
	_ =	strace s9  }
0x27: {  	s1 =	sld [smem:$0x3FA6]  }
0x28: {  	s2 =	sld [smem:$0x3FA7]  }
0x29: {  	s4 =	sld [smem:$0x3FA9]  }
0x2a: {  	p0 =	seq.s32 s5, $0x0;
	s5 =	sld [smem:$0x3FAA]  }
0x2b: {  	s6 =	sld [smem:$0x3FAB]  }
0x2c: {  	s7 =	sld [smem:$0x3FAC]  }
0x2d: {  	s3 =	simm.s32 $0x108;
	s8 =	sld [smem:$0x3FAD]  }
0x2e: {  	s3 =	simm.s32 @!p0 $0x1082;
	s9 =	sld [smem:$0x3FAE]  }
0x2f: {  	lr =	sadd.s32 s0, s3;
	s0 =	sld [smem:$0x3FA5]  }
0x30: {  	s3 =	sld [smem:$0x3FA8]  }
0x31: {  	[smem:$0x3FB1] =	sst s10  }
0x32: {  	s10 =	sld [smem:$0x3FAF];
	_ =	sdelay $0x3  }
0x33: {  	p0 =	seq.s32 s10, $0x1;
	s10 =	sld [smem:$0x3FB1];
	_ =	sdelay $0x3  }
0x34: {  	[smem:$0x3FB1] =	sst s10  }
0x35: {  	s10 =	sld [smem:$0x3FB0];
	_ =	sdelay $0x3  }
0x36: {  	p1 =	seq.s32 s10, $0x1;
	s10 =	sld [smem:$0x3FB1];
	_ =	sdelay $0x3  }
0x37: {  	[smem:$0x3FB1] =	sst s10  }
0x38: {  	s10 =	sld [smem:$0x3FB2]  }
0x39: {  	_ = 	snop;
	(pc) =	sbr.ind lr, $3  }
0x3a: {  	_ = 	snop  }
0x3b: {  	_ = 	snop  }
0x3c: {  	p2 =	seq.s32 s10, $0x1;
	s10 =	sld [smem:$0x3FB1]  }
0x3d: {  	_ =	shalt  }
0x3e: {  	_ =	shalt  }
0x3f: {  	_ =	shalt  }
0x40: {  	_ =	shalt  }
0x41: {  	_ =	shalt  }
0x42: {  	_ =	shalt  }
0x43: {  	_ =	shalt  }
0x44: {  	_ =	shalt  }
0x45: {  	_ =	shalt  }
0x46: {  	_ =	shalt  }
0x47: {  	_ =	shalt  }
0x48: {  	_ =	shalt  }
0x49: {  	_ =	shalt  }
0x4a: {  	_ =	shalt  }
0x4b: {  	_ =	shalt  }
0x4c: {  	_ =	shalt  }
0x4d: {  	_ =	shalt  }
0x4e: {  	_ =	shalt  }
0x4f: {  	_ =	shalt  }
0x50: {  	_ =	shalt  }
0x51: {  	_ =	shalt  }
0x52: {  	_ =	shalt  }
0x53: {  	_ =	shalt  }
0x54: {  	_ =	shalt  }
0x55: {  	_ =	shalt  }
0x56: {  	_ =	shalt  }
0x57: {  	_ =	shalt  }
0x58: {  	_ =	shalt  }
0x59: {  	_ =	shalt  }
0x5a: {  	_ =	shalt  }
0x5b: {  	_ =	shalt  }
0x5c: {  	_ =	shalt  }
0x5d: {  	_ =	shalt  }
0x5e: {  	_ =	shalt  }
0x5f: {  	_ =	shalt  }
0x60: {  	_ =	shalt  }
0x61: {  	_ =	shalt  }
0x62: {  	_ =	shalt  }
0x63: {  	_ =	shalt  }
0x64: {  	_ =	shalt  }
0x65: {  	_ =	shalt  }
0x66: {  	_ =	shalt  }
0x67: {  	_ =	shalt  }
0x68: {  	_ =	shalt  }
0x69: {  	_ =	shalt  }
0x6a: {  	_ =	shalt  }
0x6b: {  	_ =	shalt  }
0x6c: {  	_ =	shalt  }
0x6d: {  	_ =	shalt  }
0x6e: {  	_ =	shalt  }
0x6f: {  	_ =	shalt  }
0x70: {  	_ =	shalt  }
0x71: {  	_ =	shalt  }
0x72: {  	_ =	shalt  }
0x73: {  	_ =	shalt  }
0x74: {  	_ =	shalt  }
0x75: {  	_ =	shalt  }
0x76: {  	_ =	shalt  }
0x77: {  	_ =	shalt  }
0x78: {  	_ =	shalt  }
0x79: {  	_ =	shalt  }
0x7a: {  	_ =	shalt  }
0x7b: {  	_ =	shalt  }
0x7c: {  	_ =	shalt  }
0x7d: {  	_ =	shalt  }
0x7e: {  	_ =	shalt  }
0x7f: {  	_ =	shalt  }
0x80: {  	_ =	shalt  }
0x81: {  	_ =	shalt  }
0x82: {  	_ =	shalt  }
0x83: {  	_ =	shalt  }
0x84: {  	_ =	shalt  }
0x85: {  	_ =	shalt  }
0x86: {  	_ =	shalt  }
0x87: {  	_ =	shalt  }
.Lfunc_end0:
.L_simem_size_0:
called_computation.2_lowered:
.L_overlay_start_0:
0x88: {  	s2 =	sld [smem:$0x3FD9]  }
0x89: {  	s3 =	sld [smem:$0x3FFE];
	_ =	sdelay $0x1  }
0x8a: {  	s1 =	srdreg.scid  }
0x8b: {  	s0 =	sand.u32 $0x1, s1  }
0x8c: {  	s16 =	sshll.u32 s0, $0xA;
	s2 =	sadd.s32 s3, s2  }
0x8d: {  	s2 =	sadd.s32 s2, s16  }
0x8e: {  	[smem:$0x3FBD] =	sst s2  }
0x8f: {  	_ = 	snop  }
0x90: {  	(tm) =	ssettm $0x1  }
0x91: {  	s17 =	sld [smem:$0x3FFB];
	_ =	sdelay $0x3  }
0x92: {  	_ =	strace s17  }
0x93: {  	s2 =	sld [smem:$0x3FFC];
	_ =	sdelay $0x3  }
0x94: {  	_ =	strace s2  }
0x95: {  	s2 =	sld [smem:$0x3FFD];
	_ =	sdelay $0x3  }
0x96: {  	_ =	strace s2  }
0x97: {  	_ =	strace $0x8FFFFFFF  }
0x98: {  	s18 =	sld [smem:$0x3FDB];
	_ =	sdelay $0x1  }
0x99: {  	s19 =	simm.s32 $_scs_section_size  }
0x9a: {  	s4 =	simm.s32 $_size__tile_overlayer_lowered;
	s5 =	simm.s32 $_tile_overlayer_lowered  }
0x9b: {  	s22 =	simm.s32 $0x1BFF;
	s21 =	sshll.u32 s5, $0x1;
	s2 =	sadd.s32 s19, s18  }
0x9c: {  	s6 =	simm.s32 $0x0;
	s20 =	sshll.u32 s4, $0x1;
	s4 =	sadd.s32 s21, s2  }
0x9d: {  	[timem:s6], [sflag:s22] =	dma.local [hbm:s4], s20  }
0x9e: {  	_ =	swait.ge [sflag:s22], s20  }
0x9f: {  	s3 =	ssub.s32 $0x0, s20;
	[sflag:s22] =	ssyncset.done $0x0  }
0xa0: {  	[sflag:s22] =	ssyncadd.s32 s3;
	_ =	sdelay $0x1  }
0xa1: {  	s23 =	simm.s32 $0x1B8B  }
0xa2: {  	_ =	swait.ge [sflag:s23], $0x1  }
0xa3: {  	[sflag:s23] =	ssyncset.done $0x0  }
0xa4: {  	s25 =	simm.s32 $0x1B8E;
	s24 =	sld [smem:$0x3FFE];
	[sflag:s23] =	ssyncadd.s32 $0xFFFFFFFF  }
0xa5: {  	s26 =	simm.s32 $execute0_lowered;
	[smem:$0x3FD2] =	sst s25  }
0xa6: {  	s4 =	sshll.u32 s26, $0x1;
	_ =	strace $0x8000004C;
	[dreg:$0x1] =	wrdreg $0xFFFFFFFF  }
0xa7: {  	s28 =	simm.s32 $_size_execute0_lowered;
	s2 =	sadd.s32 s2, s4;
	[dreg:$0x0] =	wrdreg $0x0  }
0xa8: {  	s4 =	sshll.u32 s28, $0x1;
	[dreg:$0x2] =	wrdreg s2  }
0xa9: {  	[dreg:$0x3] =	wrdreg s4  }
0xaa: {  	[dreg:$0x4] =	wrdreg $0xC0  }
0xab: {  	_ =	task [dreg:s6], $0x5FFFF  }
0xac: {  	[dreg:$0x1] =	wrdreg $0xFFFFFFFF  }
0xad: {  	[dreg:$0x0] =	wrdreg $0x60  }
0xae: {  	[dreg:$0x2] =	wrdreg s24  }
0xaf: {  	[dreg:$0x3] =	wrdreg $0x0  }
0xb0: {  	[dreg:$0x4] =	wrdreg $0x9  }
0xb1: {  	_ =	task.clear_ibuf [dreg:s6], $0x5FFFF;
	_ =	strace $0x9000004C  }
0xb2: {  	s29 =	simm.s32 $0x9;
	_ =	strace $0x8000004E  }
0xb3: {  	_ =	swait.ge [sflag:s29], $0x1  }
0xb4: {  	[sflag:s29] =	ssyncadd.s32 $0xFFFFFFFF  }
0xb5: {  	_ =	strace $0x9000004E  }
0xb6: {  	_ =	sfence  }
0xb7: {  	s30 =	sld [smem:$0x0];
	_ =	sdelay $0x2  }
0xb8: {  	s31 =	sshll.u32 s1, $0xD;
	s1 =	sshrl.u32 s1, $0x2  }
0xb9: {  	s3 =	sand.u32 $0x4000, s31;
	s1 =	sadd.s32 s1, s30  }
0xba: {  	s0 =	sor.u32 s3, s0;
	s1 =	sshll.u32 s1, $0x11  }
0xbb: {  	s0 =	sor.u32 s1, s0  }
0xbc: {  	s0 =	sadd.s32 $0x8F2B, s0  }
0xbd: {  	[sflag:s0] =	ssyncadd.remote.s32 $0x1  }
0xbe: {  	_ =	sfence.sel $0xFFFF  }
0xbf: {  	[dreg:$0x0] =	wrdreg $0xFFFFFFFF;
	(pc) =	sbr.abs _section_cstart, $3  }
0xc0: {  	[dreg:$0x1] =	wrdreg $0xFFFFFFFF  }
0xc1: {  	_ =	task.clear_ibuf [dreg:s6], $0x2FFFF;
	_ =	strace $0x9FFFFFFF  }
0xc2: {  	(tm) =	ssettm $0x7FFFFFFF  }
0xc3: {  	_ =	shalt  }
tec
execute0_lowered:
.L_overlay_start_1:
0x0: {  	(tag) =	ssettag $0x1  }
0x1: {  	s7 =	rddreg [dreg:$0x0]  }
0x2: {  	s2 =	rddreg [dreg:$0x1]  }
0x3: {  	s0 =	rddreg [dreg:$0x2];
	s3 =	simm.s32 $0x0;
	s1 =	stileid.u32  }
0x4: {  	s4 =	srdreg.scid;
	s15 =	simm.s32 $0x13C80;
	s16 =	simm.s32 $0x80  }
0x5: {  	s17 =	simm.s32 $0x13D00;
	s18 =	simm.s32 $0x1;
	s19 =	simm.s32 $0x0  }
0x6: {  	[smem:$0x7FF] =	sst s3;
	s8 =	smul.u32 $0x13C00, s1;
	s9 =	sand.u32 $0x1, s4  }
0x7: {  	s4 =	sadd.s32 $0x3E200, s7;
	s5 =	sadd.s32 $0xCA00, s7;
	s6 =	sadd.s32 $0x2A00, s7  }
0x8: {  	s25 =	smul.u32 $0x4F000, s1;
	s30 =	sshll.u32 s1, $0x6;
	_ =	strace $0x8000004D  }
0x9: {  	s10 =	smul.u32 $0x13C000, s9;
	s12 =	ssub.s32 $0x2, s9;
	s29 =	sshll.u32 s9, $0x4  }
0xa: {  	s11 =	sshrl.u32 s8, $0x3;
	s26 =	sshrl.u32 s12, $0x1;
	s28 =	sshrl.u32 s25, $0x2  }
0xb: {  	s31 =	sor.u32 s1, s29;
	s8 =	sadd.s32 s8, s10;
	s11 =	sadd.s32 s11, s7  }
0xc: {  	s12 =	ssub.s32 s12, s26;
	s14 =	sadd.s32 s28, s2;
	s8 =	sshrl.u32 s8, $0x3  }
0xd: {  	s9 =	smul.u32 $0x2800, s31;
	s13 =	sadd.s32 s8, s7;
	s7 =	sadd.s32 $0x16A00, s11  }
0xe: {  	s8 =	sor.u32 $0x1C02, s30;
	s11 =	smax.u32 s12, $0x1;
	s12 =	sshrl.u32 s14, $0x3  }
0xf: {  	s14 =	simm.s32 $0x13C00;
	s10 =	sadd.s32 $0x65400, s13;
	s13 =	simm.s32 $0x2  }
.LBB2_1:
0x10: {  	[spmem:s12], [sflag:s8] =	dma.local [hbm:s7], $0x2780  }
0x11: {  	s20 =	sand.u32 $0x3C00, s3  }
0x12: {  	s21 =	sand.u32 $0x380, s3;
	_ =	swait.ge [sflag:s13], $0x2780;
	s20 =	sadd.s32 s9, s20  }
0x13: {  	[sflag:s13] =	ssyncset.done $0x0;
	s20 =	sor.u32 s21, s20  }
0x14: {  	[sflag:s13] =	ssyncadd.s32 $0xFFFFD880;
	s20 =	sshrl.u32 s20, $0x3  }
0x15: {  	[bflag:$0x0] =	sbarrier.arrive $0xFFFF;
	s29 =	sadd.s32 s5, s20  }
0x16: {  	[tilespmem:s14], [sflag:$0x2] =	stream.linear.gather [hbm4b:s29+s3], $0x80, $0x38;
	[tilespmem:$0x17D00] =	vst v63  }
0x17: {  	_ =	swait.ge [sflag:s13], $0x80  }
0x18: {  	[sflag:s13] =	ssyncset.done $0x0  }
0x19: {  	s20 =	sadd.s32 s6, s20;
	[sflag:s13] =	ssyncadd.s32 $0xFFFFFF80  }
0x1a: {  	[tilespmem:s15], [sflag:$0x2] =	stream.linear.gather [hbm4b:s20+s3], $0x80, $0x38;
	[tilespmem:$0x17D00] =	vst v63  }
0x1b: {  	_ =	swait.ge [sflag:s13], $0x80  }
0x1c: {  	[sflag:s13] =	ssyncset.done $0x0  }
0x1d: {  	[sflag:s13] =	ssyncadd.s32 $0xFFFFFF80  }
0x1e: {  	[tilespmem:s17], [sflag:$0x1] =	stream.indirect.gather [hbm4b:s4+s16], $0x80, s14, s16, $0xb8;
	[tilespmem:$0x17D00] =	vst v63  }
0x1f: {  	_ =	swait.ge [sflag:s18], $0x4000  }
0x20: {  	s30 =	simm.s32 $0x80;
	[sflag:s18] =	ssyncset.done $0x0  }
0x21: {  	s31 =	sand.u32 $0x3C00, s30;
	[sflag:s18] =	ssyncadd.s32 $0xFFFFC000  }
0x22: {  	[spmem:s2] =	stream.indirect.scatter.add.f32 [tilespmem:s17], [sflag:$0x2], $0x80, s15, s16, $0xb8;
	[tilespmem:$0x17D00] =	vst v63  }
0x23: {  	s22 =	sand.u32 $0x380, s30;
	s21 =	sadd.s32 s9, s31;
	_ =	swait.ge [sflag:s13], $0x4000  }
0x24: {  	s21 =	sor.u32 s22, s21;
	s20 =	simm.s32 $0x100;
	[sflag:s13] =	ssyncset.done $0x0  }
.LBB2_2:
0x25: {  	s21 =	sshrl.u32 s21, $0x3  }
0x26: {  	[sflag:s13] =	ssyncadd.s32 $0xFFFFC000;
	s22 =	smov.u32 s20;
	s23 =	sadd.s32 $0x80, s20  }
0x27: {  	p0 =	sne.s32 s20, $0x2700;
	s20 =	sadd.s32 s5, s21  }
0x28: {  	[tilespmem:s14], [sflag:$0x2] =	stream.linear.gather [hbm4b:s20+s3], $0x80, $0x38;
	[tilespmem:$0x17D00] =	vst v63  }
0x29: {  	_ =	swait.ge [sflag:s13], $0x80  }
0x2a: {  	[sflag:s13] =	ssyncset.done $0x0  }
0x2b: {  	s20 =	sadd.s32 s6, s21;
	[sflag:s13] =	ssyncadd.s32 $0xFFFFFF80  }
0x2c: {  	[tilespmem:s15], [sflag:$0x2] =	stream.linear.gather [hbm4b:s20+s3], $0x80, $0x38;
	[tilespmem:$0x17D00] =	vst v63  }
0x2d: {  	_ =	swait.ge [sflag:s13], $0x80  }
0x2e: {  	[sflag:s13] =	ssyncset.done $0x0  }
0x2f: {  	[sflag:s13] =	ssyncadd.s32 $0xFFFFFF80  }
0x30: {  	[tilespmem:s17], [sflag:$0x1] =	stream.indirect.gather [hbm4b:s4+s16], $0x80, s14, s16, $0xb8;
	[tilespmem:$0x17D00] =	vst v63  }
0x31: {  	_ =	swait.ge [sflag:s18], $0x4000  }
.Ltmp0:
0x32: {  	[sflag:s18] =	ssyncset.done $0x0;
	(pc) =	sbr.rel @p0 .LBB2_2-.Ltmp0, $4  }
0x33: {  	s20 =	sand.u32 $0x3C00, s22;
	[sflag:s18] =	ssyncadd.s32 $0xFFFFC000  }
0x34: {  	[spmem:s2] =	stream.indirect.scatter.add.f32 [tilespmem:s17], [sflag:$0x2], $0x80, s15, s16, $0xb8;
	[tilespmem:$0x17D00] =	vst v63  }
0x35: {  	s21 =	sand.u32 $0x380, s22;
	s20 =	sadd.s32 s9, s20;
	_ =	swait.ge [sflag:s13], $0x4000  }
0x36: {  	s21 =	sor.u32 s21, s20;
	s20 =	smov.u32 s23;
	[sflag:s13] =	ssyncset.done $0x0  }
0x37: {  	s20 =	sshrl.u32 s21, $0x3  }
0x38: {  	[sflag:s13] =	ssyncadd.s32 $0xFFFFC000;
	s21 =	sadd.s32 s5, s20  }
0x39: {  	[tilespmem:s14], [sflag:$0x2] =	stream.linear.gather [hbm4b:s21+s3], $0x80, $0x38;
	[tilespmem:$0x17D00] =	vst v63  }
0x3a: {  	_ =	swait.ge [sflag:s13], $0x80  }
0x3b: {  	[sflag:s13] =	ssyncset.done $0x0  }
0x3c: {  	s20 =	sadd.s32 s6, s20;
	[sflag:s13] =	ssyncadd.s32 $0xFFFFFF80  }
0x3d: {  	[tilespmem:s15], [sflag:$0x2] =	stream.linear.gather [hbm4b:s20+s3], $0x80, $0x38;
	[tilespmem:$0x17D00] =	vst v63  }
0x3e: {  	_ =	swait.ge [sflag:s13], $0x80  }
0x3f: {  	[sflag:s13] =	ssyncset.done $0x0  }
0x40: {  	[sflag:s13] =	ssyncadd.s32 $0xFFFFFF80  }
0x41: {  	[tilespmem:s17], [sflag:$0x1] =	stream.indirect.gather [hbm4b:s4+s16], $0x80, s14, s16, $0xb8;
	[tilespmem:$0x17D00] =	vst v63  }
0x42: {  	_ =	swait.ge [sflag:s18], $0x4000  }
0x43: {  	[sflag:s18] =	ssyncset.done $0x0  }
0x44: {  	[sflag:s18] =	ssyncadd.s32 $0xFFFFC000  }
0x45: {  	[spmem:s2] =	stream.indirect.scatter.add.f32 [tilespmem:s17], [sflag:$0x2], $0x80, s15, s16, $0xb8;
	[tilespmem:$0x17D00] =	vst v63  }
0x46: {  	_ =	swait.ge [sflag:s13], $0x4000  }
0x47: {  	s19 =	sadd.s32 $0x1, s19;
	[sflag:s13] =	ssyncset.done $0x0  }
0x48: {  	p0 =	sne.s32 s19, s11;
	[sflag:s13] =	ssyncadd.s32 $0xFFFFC000  }
.Ltmp1:
0x49: {  	[bflag:$0x0] =	sbarrier.arrive $0xFFFF;
	(pc) =	sbr.rel @p0 .LBB2_1-.Ltmp1, $4  }
0x4a: {  	[hbm:s10], [sflag:s8] =	dma.local [spmem:s12], $0x2780  }
0x4b: {  	_ =	swait.ge [sflag:s13], $0x2780  }
0x4c: {  	[sflag:s13] =	ssyncset.done $0x0  }
0x4d: {  	[sflag:s13] =	ssyncadd.s32 $0xFFFFD880  }
0x4e: {  	_ =	sfence.sel $0x180000  }
0x4f: {  	[bflag:$0x0] =	sbarrier.arrive $0xFFFF  }
0x50: {  	p0 =	sne.s32 s1, $0x0;
	_ =	strace $0x9000004D  }
0x51: {  	s0 =	sadd.s32 @!p0 $0x100000, s0;
	[bflag:$0x2] =	sbarrier.arrive $0xFFFF  }
0x52: {  	[sflag:s0] =	ssyncadd.tile.s32 @!p0 $0x1;
	_ =	shalt  }
.Lfunc_end2:
_tile_overlayer_lowered:
.L_overlay_start_2:
0x53: {  	(tag) =	ssettag $0x2  }
0x54: {  	s0 =	rddreg [dreg:$0x0];
	s2 =	stileid.u32  }
0x55: {  	s1 =	rddreg [dreg:$0x1];
	p0 =	sne.s32 s2, $0x0  }
0x56: {  	s3 =	rddreg [dreg:$0x2];
	[bflag:$0x3] =	sbarrier.arrive $0xFFFF;
	s2 =	simm.s32 @!p0 $0x1C02  }
0x57: {  	[timem:s3], [sflag:s2] =	dma.local @!p0 [hbm:s0], s1  }
0x58: {  	s0 =	simm.s32 @!p0 $0x2  }
0x59: {  	_ =	swait.ge @!p0 [sflag:s0], s1  }
0x5a: {  	s1 =	ssub.s32 @!p0 $0x0, s1;
	[sflag:s0] =	ssyncset.done @!p0 $0x0  }
0x5b: {  	[sflag:s0] =	ssyncadd.s32 @!p0 s1  }
0x5c: {  	[bflag:$0x3] =	sbarrier.arrive $0xFFFF  }
0x5d: {  	_ =	shalt  }

// kernel: kernel.8.cloned.1.call-start
scs
__scs_entry_jumppad:
0x0: {  	(pc) =	sbr.rel $0x88, $3  }
0x1: {  	(tag) =	ssettag $0x0;
	lr =	simm.s32 $0x1  }
0x2: {  	[smem:$0x3F96] =	sst lr;
	_ =	strace $0xD0000000  }
0x3: {  	_ = 	snop  }
0x4: {  	_ = 	snop  }
0x5: {  	_ = 	snop  }
0x6: {  	_ = 	snop  }
0x7: {  	_ = 	snop  }
__scs_overlays_trampoline_lowered:
0x8: {  	[smem:$0x3FA5] =	sst s0  }
0x9: {  	[smem:$0x3FA6] =	sst s1  }
0xa: {  	[smem:$0x3FA7] =	sst s2  }
0xb: {  	[smem:$0x3FA8] =	sst s3  }
0xc: {  	[smem:$0x3FA9] =	sst s4  }
0xd: {  	[smem:$0x3FAA] =	sst s5  }
0xe: {  	[smem:$0x3FAB] =	sst s6  }
0xf: {  	[smem:$0x3FAC] =	sst s7  }
0x10: {  	[smem:$0x3FAD] =	sst s8  }
0x11: {  	[smem:$0x3FAE] =	sst s9;
	s0 =	simm.s32 @!p0 $0x0  }
0x12: {  	s1 =	sld [smem:$0x3F94];
	s0 =	simm.s32 @p0 $0x1  }
0x13: {  	[smem:$0x3FAF] =	sst s0;
	s0 =	simm.s32 @!p1 $0x0  }
0x14: {  	s2 =	sld [smem:$0x3F93];
	s0 =	simm.s32 @p1 $0x1  }
0x15: {  	[smem:$0x3FB0] =	sst s0;
	s0 =	simm.s32 @!p2 $0x0  }
0x16: {  	s3 =	sld [smem:$0x3FDB];
	s0 =	simm.s32 @p2 $0x1  }
0x17: {  	s4 =	simm.s32 $0x1BF5;
	[smem:$0x3FB2] =	sst s0  }
0x18: {  	s0 =	sld [smem:$0x3F95];
	_ =	swait.ge [sflag:s4], $0x0  }
0x19: {  	s7 =	sld [smem:$0x3F96]  }
0x1a: {  	s8 =	sadd.s32 $0xFFFFE003, lr  }
0x1b: {  	s9 =	sadd.s32 $0xFFFFFEF7, lr;
	s5 =	simm.s32 $0xFFFFFFFF;
	p2 =	slt.u32 s8, $0xFFFFF086  }
0x1c: {  	p1 =	slt.u32 s9, $0xF7A;
	s5 =	simm.s32 @!p2 $0x0  }
0x1d: {  	s5 =	simm.s32 @p1 $0x1;
	p0 =	seq.s32 s7, s2  }
0x1e: {  	s7 =	smul.u32 @!p0 $0xF7A, s2;
	p2 =	seq.s32 @!p0 s5, $0x0  }
0x1f: {  	s9 =	smul.u32 $0xF7A, s1;
	s8 =	simm.s32 @!p0 $0x1BF5;
	p2 =	por !p2, p0  }
0x20: {  	[sflag:s8] =	ssyncset.s32 @!p0 $0xFFFFF086;
	s6 =	sadd.s32 @!p0 s3, s7;
	s7 =	simm.s32 @!p0 $0x108  }
0x21: {  	s3 =	sadd.s32 s3, s9;
	s6 =	sadd.s32 @!p0 $0x88, s6;
	s7 =	simm.s32 @p2 $0x1082  }
0x22: {  	[simem:s7], [sflag:s8] =	dma.local @!p0 [hbm:s6], $0xF7A  }
0x23: {  	s9 =	sor.u32 $0xD0000000, s2;
	s6 =	simm.s32 $0x108;
	_ =	swait.ge @!p0 [sflag:s8], $0x0  }
0x24: {  	s3 =	sadd.s32 $0x88, s3;
	s6 =	simm.s32 @!p1 $0x1082;
	[sflag:s4] =	ssyncset.s32 $0xFFFFF086  }
0x25: {  	[simem:s6], [sflag:s4] =	dma.local [hbm:s3], $0xF7A  }
0x26: {  	[smem:$0x3F96] =	sst s1;
	(tag) =	ssettag s2;
	_ =	strace s9  }
0x27: {  	s1 =	sld [smem:$0x3FA6]  }
0x28: {  	s2 =	sld [smem:$0x3FA7]  }
0x29: {  	s4 =	sld [smem:$0x3FA9]  }
0x2a: {  	p0 =	seq.s32 s5, $0x0;
	s5 =	sld [smem:$0x3FAA]  }
0x2b: {  	s6 =	sld [smem:$0x3FAB]  }
0x2c: {  	s7 =	sld [smem:$0x3FAC]  }
0x2d: {  	s3 =	simm.s32 $0x108;
	s8 =	sld [smem:$0x3FAD]  }
0x2e: {  	s3 =	simm.s32 @!p0 $0x1082;
	s9 =	sld [smem:$0x3FAE]  }
0x2f: {  	lr =	sadd.s32 s0, s3;
	s0 =	sld [smem:$0x3FA5]  }
0x30: {  	s3 =	sld [smem:$0x3FA8]  }
0x31: {  	[smem:$0x3FB1] =	sst s10  }
0x32: {  	s10 =	sld [smem:$0x3FAF];
	_ =	sdelay $0x3  }
0x33: {  	p0 =	seq.s32 s10, $0x1;
	s10 =	sld [smem:$0x3FB1];
	_ =	sdelay $0x3  }
0x34: {  	[smem:$0x3FB1] =	sst s10  }
0x35: {  	s10 =	sld [smem:$0x3FB0];
	_ =	sdelay $0x3  }
0x36: {  	p1 =	seq.s32 s10, $0x1;
	s10 =	sld [smem:$0x3FB1];
	_ =	sdelay $0x3  }
0x37: {  	[smem:$0x3FB1] =	sst s10  }
0x38: {  	s10 =	sld [smem:$0x3FB2]  }
0x39: {  	_ = 	snop;
	(pc) =	sbr.ind lr, $3  }
0x3a: {  	_ = 	snop  }
0x3b: {  	_ = 	snop  }
0x3c: {  	p2 =	seq.s32 s10, $0x1;
	s10 =	sld [smem:$0x3FB1]  }
0x3d: {  	_ =	shalt  }
0x3e: {  	_ =	shalt  }
0x3f: {  	_ =	shalt  }
0x40: {  	_ =	shalt  }
0x41: {  	_ =	shalt  }
0x42: {  	_ =	shalt  }
0x43: {  	_ =	shalt  }
0x44: {  	_ =	shalt  }
0x45: {  	_ =	shalt  }
0x46: {  	_ =	shalt  }
0x47: {  	_ =	shalt  }
0x48: {  	_ =	shalt  }
0x49: {  	_ =	shalt  }
0x4a: {  	_ =	shalt  }
0x4b: {  	_ =	shalt  }
0x4c: {  	_ =	shalt  }
0x4d: {  	_ =	shalt  }
0x4e: {  	_ =	shalt  }
0x4f: {  	_ =	shalt  }
0x50: {  	_ =	shalt  }
0x51: {  	_ =	shalt  }
0x52: {  	_ =	shalt  }
0x53: {  	_ =	shalt  }
0x54: {  	_ =	shalt  }
0x55: {  	_ =	shalt  }
0x56: {  	_ =	shalt  }
0x57: {  	_ =	shalt  }
0x58: {  	_ =	shalt  }
0x59: {  	_ =	shalt  }
0x5a: {  	_ =	shalt  }
0x5b: {  	_ =	shalt  }
0x5c: {  	_ =	shalt  }
0x5d: {  	_ =	shalt  }
0x5e: {  	_ =	shalt  }
0x5f: {  	_ =	shalt  }
0x60: {  	_ =	shalt  }
0x61: {  	_ =	shalt  }
0x62: {  	_ =	shalt  }
0x63: {  	_ =	shalt  }
0x64: {  	_ =	shalt  }
0x65: {  	_ =	shalt  }
0x66: {  	_ =	shalt  }
0x67: {  	_ =	shalt  }
0x68: {  	_ =	shalt  }
0x69: {  	_ =	shalt  }
0x6a: {  	_ =	shalt  }
0x6b: {  	_ =	shalt  }
0x6c: {  	_ =	shalt  }
0x6d: {  	_ =	shalt  }
0x6e: {  	_ =	shalt  }
0x6f: {  	_ =	shalt  }
0x70: {  	_ =	shalt  }
0x71: {  	_ =	shalt  }
0x72: {  	_ =	shalt  }
0x73: {  	_ =	shalt  }
0x74: {  	_ =	shalt  }
0x75: {  	_ =	shalt  }
0x76: {  	_ =	shalt  }
0x77: {  	_ =	shalt  }
0x78: {  	_ =	shalt  }
0x79: {  	_ =	shalt  }
0x7a: {  	_ =	shalt  }
0x7b: {  	_ =	shalt  }
0x7c: {  	_ =	shalt  }
0x7d: {  	_ =	shalt  }
0x7e: {  	_ =	shalt  }
0x7f: {  	_ =	shalt  }
0x80: {  	_ =	shalt  }
0x81: {  	_ =	shalt  }
0x82: {  	_ =	shalt  }
0x83: {  	_ =	shalt  }
0x84: {  	_ =	shalt  }
0x85: {  	_ =	shalt  }
0x86: {  	_ =	shalt  }
0x87: {  	_ =	shalt  }
.Lfunc_end0:
.L_simem_size_0:
called_computation_lowered:
.L_overlay_start_0:
0x88: {  	s2 =	sld [smem:$0x3FD9]  }
0x89: {  	s3 =	sld [smem:$0x3FFE];
	_ =	sdelay $0x1  }
0x8a: {  	s1 =	srdreg.scid  }
0x8b: {  	s0 =	sand.u32 $0x1, s1  }
0x8c: {  	s17 =	sshll.u32 s0, $0xA;
	s2 =	sadd.s32 s3, s2  }
0x8d: {  	s2 =	sadd.s32 s2, s17  }
0x8e: {  	[smem:$0x3FBD] =	sst s2  }
0x8f: {  	_ = 	snop  }
0x90: {  	s2 =	sld [smem:$0x3FC9];
	(tm) =	ssettm $0x1  }
0x91: {  	s18 =	sld [smem:$0x3FFB];
	_ =	sdelay $0x3  }
0x92: {  	_ =	strace s18  }
0x93: {  	s3 =	sld [smem:$0x3FFC];
	_ =	sdelay $0x3  }
0x94: {  	_ =	strace s3  }
0x95: {  	s3 =	sld [smem:$0x3FFD];
	_ =	sdelay $0x3  }
0x96: {  	_ =	strace s3  }
0x97: {  	_ =	strace $0x8FFFFFFF  }
0x98: {  	s19 =	sld [smem:$0x3FDB];
	_ =	sdelay $0x1  }
0x99: {  	s4 =	simm.s32 $_scs_section_size  }
0x9a: {  	s5 =	simm.s32 $_size__tile_overlayer_lowered;
	s6 =	simm.s32 $_tile_overlayer_lowered  }
0x9b: {  	s22 =	simm.s32 $0x1BFF;
	s21 =	sshll.u32 s6, $0x1;
	s3 =	sadd.s32 s4, s19  }
0x9c: {  	s7 =	simm.s32 $0x0;
	s20 =	sshll.u32 s5, $0x1;
	s5 =	sadd.s32 s21, s3  }
0x9d: {  	[timem:s7], [sflag:s22] =	dma.local [hbm:s5], s20  }
0x9e: {  	_ =	swait.ge [sflag:s22], s20  }
0x9f: {  	s4 =	ssub.s32 $0x0, s20;
	[sflag:s22] =	ssyncset.done $0x0  }
0xa0: {  	[sflag:s22] =	ssyncadd.s32 s4;
	_ =	sdelay $0x1  }
0xa1: {  	s23 =	simm.s32 $0x1B8B  }
0xa2: {  	_ =	swait.ge [sflag:s23], $0x1  }
0xa3: {  	[sflag:s23] =	ssyncset.done $0x0  }
0xa4: {  	s25 =	simm.s32 $0x1B8E;
	s24 =	sld [smem:$0x3FFE];
	[sflag:s23] =	ssyncadd.s32 $0xFFFFFFFF  }
0xa5: {  	s26 =	simm.s32 $execute0_lowered;
	[smem:$0x3FD2] =	sst s25  }
0xa6: {  	s5 =	sshll.u32 s26, $0x1;
	_ =	strace $0x80000046;
	[dreg:$0x1] =	wrdreg $0xFFFFFFFF  }
0xa7: {  	s28 =	simm.s32 $_size_execute0_lowered;
	s3 =	sadd.s32 s3, s5;
	[dreg:$0x0] =	wrdreg $0x0  }
0xa8: {  	s5 =	sshll.u32 s28, $0x1;
	[dreg:$0x2] =	wrdreg s3  }
0xa9: {  	[dreg:$0x3] =	wrdreg s5  }
0xaa: {  	[dreg:$0x4] =	wrdreg $0xC0  }
0xab: {  	_ =	task [dreg:s7], $0x5FFFF  }
0xac: {  	[dreg:$0x1] =	wrdreg $0xFFFFFFFF  }
0xad: {  	[dreg:$0x0] =	wrdreg $0x60  }
0xae: {  	[dreg:$0x2] =	wrdreg s2  }
0xaf: {  	[dreg:$0x3] =	wrdreg s24  }
0xb0: {  	[dreg:$0x4] =	wrdreg $0x0  }
0xb1: {  	[dreg:$0x5] =	wrdreg $0x9  }
0xb2: {  	_ =	task.clear_ibuf [dreg:s7], $0x6FFFF;
	_ =	strace $0x90000046  }
0xb3: {  	s29 =	simm.s32 $0x9;
	_ =	strace $0x80000048  }
0xb4: {  	_ =	swait.ge [sflag:s29], $0x1  }
0xb5: {  	[sflag:s29] =	ssyncadd.s32 $0xFFFFFFFF  }
0xb6: {  	_ =	strace $0x90000048  }
0xb7: {  	_ =	sfence  }
0xb8: {  	s30 =	sld [smem:$0x0];
	_ =	sdelay $0x2  }
0xb9: {  	s31 =	sshll.u32 s1, $0xD;
	s1 =	sshrl.u32 s1, $0x2  }
0xba: {  	s3 =	sand.u32 $0x4000, s31;
	s1 =	sadd.s32 s1, s30  }
0xbb: {  	s0 =	sor.u32 s3, s0;
	s1 =	sshll.u32 s1, $0x11  }
0xbc: {  	s0 =	sor.u32 s1, s0  }
0xbd: {  	s0 =	sadd.s32 $0x8F2B, s0  }
0xbe: {  	[sflag:s0] =	ssyncadd.remote.s32 $0x1  }
0xbf: {  	_ =	sfence.sel $0xFFFF  }
0xc0: {  	[dreg:$0x0] =	wrdreg $0xFFFFFFFF;
	(pc) =	sbr.abs _section_cstart, $3  }
0xc1: {  	[dreg:$0x1] =	wrdreg $0xFFFFFFFF  }
0xc2: {  	_ =	task.clear_ibuf [dreg:s7], $0x2FFFF;
	_ =	strace $0x9FFFFFFF  }
0xc3: {  	(tm) =	ssettm $0x7FFFFFFF  }
tec
execute0_lowered:
.L_overlay_start_1:
0x0: {  	(tag) =	ssettag $0x1  }
0x1: {  	s2 =	rddreg [dreg:$0x0]  }
0x2: {  	s7 =	rddreg [dreg:$0x1]  }
0x3: {  	s3 =	rddreg [dreg:$0x2]  }
0x4: {  	s0 =	rddreg [dreg:$0x3];
	s1 =	stileid.u32  }
0x5: {  	s5 =	srdreg.scid;
	s4 =	simm.s32 $0x0;
	s15 =	simm.s32 $0x13C80  }
0x6: {  	s16 =	simm.s32 $0x80;
	s17 =	simm.s32 $0x13D00;
	s18 =	simm.s32 $0x1  }
0x7: {  	s19 =	simm.s32 $0x0;
	s8 =	smul.u32 $0x13C00, s1;
	s9 =	sand.u32 $0x1, s5  }
0x8: {  	[smem:$0x7FF] =	sst s4;
	s5 =	sadd.s32 $0xCA00, s7;
	s25 =	smul.u32 $0x4F000, s1  }
0x9: {  	s6 =	sadd.s32 $0x2A00, s7;
	s30 =	sshll.u32 s1, $0x6;
	s10 =	smul.u32 $0x13C000, s9  }
0xa: {  	_ =	strace $0x80000047;
	s12 =	ssub.s32 $0x2, s9;
	s29 =	sshll.u32 s9, $0x4  }
0xb: {  	s11 =	sshrl.u32 s8, $0x3;
	s26 =	sshrl.u32 s12, $0x1;
	s28 =	sshrl.u32 s25, $0x2  }
0xc: {  	s31 =	sor.u32 s1, s29;
	s8 =	sadd.s32 s8, s10;
	s11 =	sadd.s32 s11, s7  }
0xd: {  	s12 =	ssub.s32 s12, s26;
	s14 =	sadd.s32 s28, s3;
	s8 =	sshrl.u32 s8, $0x3  }
0xe: {  	s9 =	smul.u32 $0x2800, s31;
	s13 =	sadd.s32 s8, s7;
	s7 =	sadd.s32 $0x16A00, s11  }
0xf: {  	s8 =	sor.u32 $0x1C02, s30;
	s11 =	smax.u32 s12, $0x1;
	s12 =	sshrl.u32 s14, $0x3  }
0x10: {  	s14 =	simm.s32 $0x13C00;
	s10 =	sadd.s32 $0x3E200, s13;
	s13 =	simm.s32 $0x2  }
.LBB2_1:
0x11: {  	[spmem:s12], [sflag:s8] =	dma.local [hbm:s7], $0x2780  }
0x12: {  	s20 =	sand.u32 $0x3C00, s4  }
0x13: {  	s21 =	sand.u32 $0x380, s4;
	_ =	swait.ge [sflag:s13], $0x2780;
	s20 =	sadd.s32 s9, s20  }
0x14: {  	[sflag:s13] =	ssyncset.done $0x0;
	s20 =	sor.u32 s21, s20  }
0x15: {  	[sflag:s13] =	ssyncadd.s32 $0xFFFFD880;
	s20 =	sshrl.u32 s20, $0x3  }
0x16: {  	[bflag:$0x0] =	sbarrier.arrive $0xFFFF;
	s29 =	sadd.s32 s5, s20  }
0x17: {  	[tilespmem:s14], [sflag:$0x2] =	stream.linear.gather [hbm4b:s29+s4], $0x80, $0x38;
	[tilespmem:$0x17D00] =	vst v63  }
0x18: {  	_ =	swait.ge [sflag:s13], $0x80  }
0x19: {  	[sflag:s13] =	ssyncset.done $0x0  }
0x1a: {  	s20 =	sadd.s32 s6, s20;
	[sflag:s13] =	ssyncadd.s32 $0xFFFFFF80  }
0x1b: {  	[tilespmem:s15], [sflag:$0x2] =	stream.linear.gather [hbm4b:s20+s4], $0x80, $0x38;
	[tilespmem:$0x17D00] =	vst v63  }
0x1c: {  	_ =	swait.ge [sflag:s13], $0x80  }
0x1d: {  	[sflag:s13] =	ssyncset.done $0x0  }
0x1e: {  	[sflag:s13] =	ssyncadd.s32 $0xFFFFFF80  }
0x1f: {  	[tilespmem:s17], [sflag:$0x1] =	stream.indirect.gather [hbm4b:s2+s16], $0x80, s14, s16, $0xb8;
	[tilespmem:$0x17D00] =	vst v63  }
0x20: {  	_ =	swait.ge [sflag:s18], $0x4000  }
0x21: {  	s30 =	simm.s32 $0x80;
	[sflag:s18] =	ssyncset.done $0x0  }
0x22: {  	s31 =	sand.u32 $0x3C00, s30;
	[sflag:s18] =	ssyncadd.s32 $0xFFFFC000  }
0x23: {  	[spmem:s3] =	stream.indirect.scatter.add.f32 [tilespmem:s17], [sflag:$0x2], $0x80, s15, s16, $0xb8;
	[tilespmem:$0x17D00] =	vst v63  }
0x24: {  	s22 =	sand.u32 $0x380, s30;
	s21 =	sadd.s32 s9, s31;
	_ =	swait.ge [sflag:s13], $0x4000  }
0x25: {  	s21 =	sor.u32 s22, s21;
	s20 =	simm.s32 $0x100;
	[sflag:s13] =	ssyncset.done $0x0  }
.LBB2_2:
0x26: {  	s21 =	sshrl.u32 s21, $0x3  }
0x27: {  	[sflag:s13] =	ssyncadd.s32 $0xFFFFC000;
	s22 =	smov.u32 s20;
	s23 =	sadd.s32 $0x80, s20  }
0x28: {  	p0 =	sne.s32 s20, $0x2700;
	s20 =	sadd.s32 s5, s21  }
0x29: {  	[tilespmem:s14], [sflag:$0x2] =	stream.linear.gather [hbm4b:s20+s4], $0x80, $0x38;
	[tilespmem:$0x17D00] =	vst v63  }
0x2a: {  	_ =	swait.ge [sflag:s13], $0x80  }
0x2b: {  	[sflag:s13] =	ssyncset.done $0x0  }
0x2c: {  	s20 =	sadd.s32 s6, s21;
	[sflag:s13] =	ssyncadd.s32 $0xFFFFFF80  }
0x2d: {  	[tilespmem:s15], [sflag:$0x2] =	stream.linear.gather [hbm4b:s20+s4], $0x80, $0x38;
	[tilespmem:$0x17D00] =	vst v63  }
0x2e: {  	_ =	swait.ge [sflag:s13], $0x80  }
0x2f: {  	[sflag:s13] =	ssyncset.done $0x0  }
0x30: {  	[sflag:s13] =	ssyncadd.s32 $0xFFFFFF80  }
0x31: {  	[tilespmem:s17], [sflag:$0x1] =	stream.indirect.gather [hbm4b:s2+s16], $0x80, s14, s16, $0xb8;
	[tilespmem:$0x17D00] =	vst v63  }
0x32: {  	_ =	swait.ge [sflag:s18], $0x4000  }
.Ltmp0:
0x33: {  	[sflag:s18] =	ssyncset.done $0x0;
	(pc) =	sbr.rel @p0 .LBB2_2-.Ltmp0, $4  }
0x34: {  	s20 =	sand.u32 $0x3C00, s22;
	[sflag:s18] =	ssyncadd.s32 $0xFFFFC000  }
0x35: {  	[spmem:s3] =	stream.indirect.scatter.add.f32 [tilespmem:s17], [sflag:$0x2], $0x80, s15, s16, $0xb8;
	[tilespmem:$0x17D00] =	vst v63  }
0x36: {  	s21 =	sand.u32 $0x380, s22;
	s20 =	sadd.s32 s9, s20;
	_ =	swait.ge [sflag:s13], $0x4000  }
0x37: {  	s21 =	sor.u32 s21, s20;
	s20 =	smov.u32 s23;
	[sflag:s13] =	ssyncset.done $0x0  }
0x38: {  	s20 =	sshrl.u32 s21, $0x3  }
0x39: {  	[sflag:s13] =	ssyncadd.s32 $0xFFFFC000;
	s21 =	sadd.s32 s5, s20  }
0x3a: {  	[tilespmem:s14], [sflag:$0x2] =	stream.linear.gather [hbm4b:s21+s4], $0x80, $0x38;
	[tilespmem:$0x17D00] =	vst v63  }
0x3b: {  	_ =	swait.ge [sflag:s13], $0x80  }
0x3c: {  	[sflag:s13] =	ssyncset.done $0x0  }
0x3d: {  	s20 =	sadd.s32 s6, s20;
	[sflag:s13] =	ssyncadd.s32 $0xFFFFFF80  }
0x3e: {  	[tilespmem:s15], [sflag:$0x2] =	stream.linear.gather [hbm4b:s20+s4], $0x80, $0x38;
	[tilespmem:$0x17D00] =	vst v63  }
0x3f: {  	_ =	swait.ge [sflag:s13], $0x80  }
0x40: {  	[sflag:s13] =	ssyncset.done $0x0  }
0x41: {  	[sflag:s13] =	ssyncadd.s32 $0xFFFFFF80  }
0x42: {  	[tilespmem:s17], [sflag:$0x1] =	stream.indirect.gather [hbm4b:s2+s16], $0x80, s14, s16, $0xb8;
	[tilespmem:$0x17D00] =	vst v63  }
0x43: {  	_ =	swait.ge [sflag:s18], $0x4000  }
0x44: {  	[sflag:s18] =	ssyncset.done $0x0  }
0x45: {  	[sflag:s18] =	ssyncadd.s32 $0xFFFFC000  }
0x46: {  	[spmem:s3] =	stream.indirect.scatter.add.f32 [tilespmem:s17], [sflag:$0x2], $0x80, s15, s16, $0xb8;
	[tilespmem:$0x17D00] =	vst v63  }
0x47: {  	_ =	swait.ge [sflag:s13], $0x4000  }
0x48: {  	s19 =	sadd.s32 $0x1, s19;
	[sflag:s13] =	ssyncset.done $0x0  }
0x49: {  	p0 =	sne.s32 s19, s11;
	[sflag:s13] =	ssyncadd.s32 $0xFFFFC000  }
.Ltmp1:
0x4a: {  	[bflag:$0x0] =	sbarrier.arrive $0xFFFF;
	(pc) =	sbr.rel @p0 .LBB2_1-.Ltmp1, $4  }
0x4b: {  	[hbm:s10], [sflag:s8] =	dma.local [spmem:s12], $0x2780  }
0x4c: {  	_ =	swait.ge [sflag:s13], $0x2780  }
0x4d: {  	[sflag:s13] =	ssyncset.done $0x0  }
0x4e: {  	[sflag:s13] =	ssyncadd.s32 $0xFFFFD880  }
0x4f: {  	_ =	sfence.sel $0x180000  }
0x50: {  	[bflag:$0x0] =	sbarrier.arrive $0xFFFF  }
0x51: {  	p0 =	sne.s32 s1, $0x0;
	_ =	strace $0x90000047  }
0x52: {  	s0 =	sadd.s32 @!p0 $0x100000, s0;
	[bflag:$0x2] =	sbarrier.arrive $0xFFFF  }
0x53: {  	[sflag:s0] =	ssyncadd.tile.s32 @!p0 $0x1;
	_ =	shalt  }
.Lfunc_end2:
_tile_overlayer_lowered:
.L_overlay_start_2:
0x54: {  	(tag) =	ssettag $0x2  }
0x55: {  	s0 =	rddreg [dreg:$0x0];
	s2 =	stileid.u32  }
0x56: {  	s1 =	rddreg [dreg:$0x1];
	p0 =	sne.s32 s2, $0x0  }
0x57: {  	s3 =	rddreg [dreg:$0x2];
	[bflag:$0x3] =	sbarrier.arrive $0xFFFF;
	s2 =	simm.s32 @!p0 $0x1C02  }
0x58: {  	[timem:s3], [sflag:s2] =	dma.local @!p0 [hbm:s0], s1  }
0x59: {  	s0 =	simm.s32 @!p0 $0x2  }
0x5a: {  	_ =	swait.ge @!p0 [sflag:s0], s1  }
0x5b: {  	s1 =	ssub.s32 @!p0 $0x0, s1;
	[sflag:s0] =	ssyncset.done @!p0 $0x0  }
0x5c: {  	[sflag:s0] =	ssyncadd.s32 @!p0 s1  }
0x5d: {  	[bflag:$0x3] =	sbarrier.arrive $0xFFFF  }
0x5e: {  	_ =	shalt  }

</sc_bundles>
